<compile_context>
chip_gen: v7x
topology: tpu7x:2x2x1
jax: 0.10.2.dev20260603
libtpu: 0.0.44.dev20260713+nightly
codegen_flags: <defaults>
</compile_context>

<pallas_src>
import functools

import jax
import jax.numpy as jnp
from jax import lax
from jax.experimental import pallas as pl
from jax.experimental.pallas import tpu as pltpu
from jax.experimental.pallas import tpu_sc as plsc

_N = 20000
_NW = 16
_PER_W = 1280
_NPAD = _NW * _PER_W
_NV = _PER_W // 16
_MAX_OUT = 100
_IOU_THRESHOLD = 0.5
_BIG = 1 << 30


def _sc_nms(x1_hbm, y1_hbm, x2_hbm, y2_hbm, s_hbm, out_hbm,
            x1v, y1v, x2v, y2v, av, msv, candv, pubv, rowacc, shared):
    core = lax.axis_index("c")
    wid = lax.axis_index("s")
    base = wid * _PER_W
    lane = lax.iota(jnp.int32, 16)

    pltpu.sync_copy(x1_hbm.at[pl.ds(base, _PER_W)], x1v)
    pltpu.sync_copy(y1_hbm.at[pl.ds(base, _PER_W)], y1v)
    pltpu.sync_copy(x2_hbm.at[pl.ds(base, _PER_W)], x2v)
    pltpu.sync_copy(y2_hbm.at[pl.ds(base, _PER_W)], y2v)
    pltpu.sync_copy(s_hbm.at[pl.ds(base, _PER_W)], msv)

    mx0 = jnp.full((16,), -3.0, jnp.float32)
    ix0 = jnp.zeros((16,), jnp.int32)

    @plsc.parallel_loop(0, _NV, 1, unroll=8, carry=(mx0, ix0))
    def init_j(j, carry):
        mx, ix = carry
        sl = pl.ds(j * 16, 16)
        a = (jnp.maximum(x2v[sl] - x1v[sl], 0.0)
             * jnp.maximum(y2v[sl] - y1v[sl], 0.0))
        av[sl] = a
        ms = msv[sl]
        gt = ms > mx
        mx = jnp.where(gt, ms, mx)
        ix = jnp.where(gt, j, ix)
        return mx, ix

    mx, ix = init_j

    def pick(i, carry):
        mx, ix = carry
        mloc = jnp.max(mx)
        lflat = ix * 16 + lane
        lidx = jnp.min(jnp.where(mx == mloc, lflat, _BIG))
        iv = jnp.full((16,), lidx, jnp.int32)
        cx1 = plsc.load_gather(x1v, [iv])
        cy1 = plsc.load_gather(y1v, [iv])
        cx2 = plsc.load_gather(x2v, [iv])
        cy2 = plsc.load_gather(y2v, [iv])
        ca = plsc.load_gather(av, [iv])
        mlv = jnp.full((16,), mloc, jnp.float32)
        pub = jnp.where(lane == 0, mlv,
              jnp.where(lane == 1, cx1,
              jnp.where(lane == 2, cy1,
              jnp.where(lane == 3, cx2,
              jnp.where(lane == 4, cy2,
              jnp.where(lane == 5, ca, 0.0))))))
        pubv[...] = pub
        par = lax.rem(i, 2)
        pltpu.sync_copy(pubv, shared.at[pl.ds(par * 256 + wid * 16, 16)])
        plsc.subcore_barrier()
        pltpu.sync_copy(shared.at[pl.ds(par * 256, 256)], candv)

        svec = plsc.load_gather(candv, [lane * 16])
        mg = jnp.max(svec)
        wstar = jnp.min(jnp.where(svec == mg, lane, _BIG))
        wbase = wstar * 16
        gx1 = plsc.load_gather(candv, [jnp.full((16,), wbase + 1, jnp.int32)])
        gy1 = plsc.load_gather(candv, [jnp.full((16,), wbase + 2, jnp.int32)])
        gx2 = plsc.load_gather(candv, [jnp.full((16,), wbase + 3, jnp.int32)])
        gy2 = plsc.load_gather(candv, [jnp.full((16,), wbase + 4, jnp.int32)])
        ga = plsc.load_gather(candv, [jnp.full((16,), wbase + 5, jnp.int32)])
        has = mg > -1.0
        hasmask = jnp.full((16,), has)

        @pl.when(jnp.logical_and(core == 0, wid == 0))
        def _():
            hf = jnp.where(hasmask, 1.0, 0.0)
            shift = jnp.where(lane < 4, lane + 1,
                              jnp.where(lane == 4, 0, 6))
            row = plsc.load_gather(candv, [wbase + shift])
            rowacc[pl.ds(i * 16, 16)] = jnp.where(lane < 5, row * hf, 0.0)

        @plsc.parallel_loop(0, _NV, 1, unroll=4, carry=(mx0, ix0))
        def upd(j, carry2):
            mx2, ix2 = carry2
            sl = pl.ds(j * 16, 16)
            x1 = x1v[sl]
            y1 = y1v[sl]
            x2 = x2v[sl]
            y2 = y2v[sl]
            a = av[sl]
            ms = msv[sl]
            xx1 = jnp.maximum(gx1, x1)
            yy1 = jnp.maximum(gy1, y1)
            xx2 = jnp.minimum(gx2, x2)
            yy2 = jnp.minimum(gy2, y2)
            inter = (jnp.maximum(xx2 - xx1, 0.0)
                     * jnp.maximum(yy2 - yy1, 0.0))
            iou = inter / (ga + a - inter + 1e-9)
            ms = jnp.where(iou > _IOU_THRESHOLD, -2.0, ms)
            msv[sl] = ms
            gt = ms > mx2
            mx2 = jnp.where(gt, ms, mx2)
            ix2 = jnp.where(gt, j, ix2)
            return mx2, ix2

        return upd

    lax.fori_loop(0, _MAX_OUT, pick, (mx, ix))

    @pl.when(jnp.logical_and(core == 0, wid == 0))
    def _():
        pltpu.sync_copy(rowacc, out_hbm)


_sc_call = functools.partial(
    pl.kernel,
    out_type=jax.ShapeDtypeStruct((_MAX_OUT * 16,), jnp.float32),
    mesh=plsc.VectorSubcoreMesh(core_axis_name="c", subcore_axis_name="s",
                                num_cores=2, num_subcores=16),
    scratch_types=[
        pltpu.VMEM((_PER_W,), jnp.float32),
        pltpu.VMEM((_PER_W,), jnp.float32),
        pltpu.VMEM((_PER_W,), jnp.float32),
        pltpu.VMEM((_PER_W,), jnp.float32),
        pltpu.VMEM((_PER_W,), jnp.float32),
        pltpu.VMEM((_PER_W,), jnp.float32),
        pltpu.VMEM((_NW * 16,), jnp.float32),
        pltpu.VMEM((16,), jnp.float32),
        pltpu.VMEM((_MAX_OUT * 16,), jnp.float32),
        pltpu.VMEM_SHARED((2 * _NW * 16,), jnp.float32),
    ],
    compiler_params=pltpu.CompilerParams(needs_layout_passes=False),
)


def kernel(boxes, scores):
    bp = jnp.pad(boxes, ((0, _NPAD - _N), (0, 0)))
    sp = jnp.pad(scores, (0, _NPAD - _N), constant_values=-2.0)
    planes = [bp[:, k] for k in range(4)]
    out = _sc_call(_sc_nms)(planes[0], planes[1], planes[2], planes[3], sp)
    return out.reshape(_MAX_OUT, 16)[:, :5]

# --- scband reference (transcript-rebuilt; emitter-appended) ---
"""Pipeline reference for scband-object-detector-33148557590842 (READ-ONLY COPY).

The authoritative reference and input builder live on the scoring server;
editing this copy changes nothing except your own understanding.
"""

import jax, jax.numpy as jnp
import numpy as np

IOU_THRESHOLD = 0.5
MAX_OUT = 100


def setup_inputs(seed: int = 0) -> dict:
    key = jax.random.key(seed)
    k1, k2, k3 = jax.random.split(key, 3)
    N = 20000
    ctr = jax.random.uniform(k1, (N, 2), minval=0.05, maxval=0.95)
    wh = jax.random.uniform(k2, (N, 2), minval=0.01, maxval=0.12)
    boxes = jnp.clip(jnp.concatenate([ctr - 0.5 * wh, ctr + 0.5 * wh], axis=1), 0.0, 1.0).astype(jnp.float32)
    scores = jax.random.uniform(k3, (N,), dtype=jnp.float32)
    return {"boxes": boxes, "scores": scores}


def _nms_detections(boxes, scores):
    # Greedy NMS core of ObjectDetector's per-level post-processing:
    # sort by score, iteratively pick top box, suppress overlaps (IoU > 0.5).
    N = scores.shape[0]
    order = jnp.argsort(-scores)
    b = jnp.take(boxes, order, axis=0)
    s = jnp.take(scores, order, axis=0)
    areas = jnp.maximum(b[:, 2] - b[:, 0], 0.0) * jnp.maximum(b[:, 3] - b[:, 1], 0.0)

    def body(i, carry):
        suppressed, keep = carry
        valid = jnp.logical_not(suppressed)
        idx = jnp.argmax(valid)
        has = valid[idx]
        keep = keep.at[i].set(jnp.where(has, idx.astype(jnp.int32), jnp.int32(-1)))
        cur = b[idx]
        xx1 = jnp.maximum(cur[0], b[:, 0])
        yy1 = jnp.maximum(cur[1], b[:, 1])
        xx2 = jnp.minimum(cur[2], b[:, 2])
        yy2 = jnp.minimum(cur[3], b[:, 3])
        inter = jnp.maximum(xx2 - xx1, 0.0) * jnp.maximum(yy2 - yy1, 0.0)
        iou = inter / (areas[idx] + areas - inter + 1e-9)
        sup = jnp.logical_or(suppressed, iou > IOU_THRESHOLD)
        sup = sup.at[idx].set(True)
        suppressed = jnp.where(has, sup, suppressed)
        return suppressed, keep

    init = (jnp.zeros((N,), dtype=bool), jnp.full((MAX_OUT,), -1, dtype=jnp.int32))
    _, keep = jax.lax.fori_loop(0, MAX_OUT, body, init)
    valid = (keep >= 0)
    kidx = jnp.where(valid, keep, 0)
    sel_b = jnp.take(b, kidx, axis=0) * valid[:, None].astype(b.dtype)
    sel_s = jnp.take(s, kidx) * valid.astype(s.dtype)
    # [MAX_OUT, 5]: x1, y1, x2, y2, score (zero-padded rows where no detection)
    return jnp.concatenate([sel_b, sel_s[:, None]], axis=1)


def reference(boxes, scores):
    return _nms_detections(boxes, scores)

if __name__ == "__main__":
    import jax
    _d = setup_inputs()
    print(jax.jit(kernel)(*tuple(_d.values())))

</pallas_src>

<mosaic_0001>
#map = affine_map<(d0, d1) -> (0)>
module attributes {stable_mosaic.version = 14 : i64} {
  func.func @_sc_nms(%arg0: i32, %arg1: i32, %arg2: memref<20480xf32, #tpu.memory_space<hbm>>, %arg3: memref<20480xf32, #tpu.memory_space<hbm>>, %arg4: memref<20480xf32, #tpu.memory_space<hbm>>, %arg5: memref<20480xf32, #tpu.memory_space<hbm>>, %arg6: memref<20480xf32, #tpu.memory_space<hbm>>, %arg7: memref<1600xf32, #tpu.memory_space<hbm>>, %arg8: memref<1280xf32, #tpu.memory_space<vmem>>, %arg9: memref<1280xf32, #tpu.memory_space<vmem>>, %arg10: memref<1280xf32, #tpu.memory_space<vmem>>, %arg11: memref<1280xf32, #tpu.memory_space<vmem>>, %arg12: memref<1280xf32, #tpu.memory_space<vmem>>, %arg13: memref<1280xf32, #tpu.memory_space<vmem>>, %arg14: memref<256xf32, #tpu.memory_space<vmem>>, %arg15: memref<16xf32, #tpu.memory_space<vmem>>, %arg16: memref<1600xf32, #tpu.memory_space<vmem>>, %arg17: memref<512xf32, #tpu.memory_space<vmem_shared>>) attributes {dimension_semantics = [#tpu.dimension_semantics<core_parallel>, #tpu.dimension_semantics<subcore_parallel>], iteration_bounds = array<i64: 2, 16>, scalar_prefetch = 0 : i64, scratch_operands = 10 : i64, tpu.core_type = #tpu.core_type<sc_vector_subcore>, window_params = [{transform_indices = #map}, {transform_indices = #map}, {transform_indices = #map}, {transform_indices = #map}, {transform_indices = #map}, {transform_indices = #map}]} {
    %mul3A = arith.constant 1280 : i32
    %mul3A_0 = arith.muli %arg1, %mul3A : i32
    %iota3A = tpu.iota {dimensions = array<i32: 0>} : vector<16xi32>
    "tpu.region"() ({
      %run_scoped3A = tpu.sem_alloc : memref<!tpu.dma_semaphore, #tpu.memory_space<semaphore_mem>>
      %dma_start3A = tpu.memref_slice %arg2[%mul3A_0] : memref<20480xf32, #tpu.memory_space<hbm>> -> memref<1280xf32, #tpu.memory_space<hbm>>
      %dma_start3A_16 = tpu.memref_slice %arg2[%mul3A_0] : memref<20480xf32, #tpu.memory_space<hbm>> -> memref<1280xf32, #tpu.memory_space<hbm>>
      tpu.enqueue_dma source(%dma_start3A_16 : memref<1280xf32, #tpu.memory_space<hbm>>) target(%arg8 : memref<1280xf32, #tpu.memory_space<vmem>>) target_semaphore(%run_scoped3A : memref<!tpu.dma_semaphore, #tpu.memory_space<semaphore_mem>>)
      %dma_wait3A = tpu.memref_slice %arg2[%mul3A_0] : memref<20480xf32, #tpu.memory_space<hbm>> -> memref<1280xf32, #tpu.memory_space<hbm>>
      %dma_wait3A_17 = tpu.memref_slice %arg2[%mul3A_0] : memref<20480xf32, #tpu.memory_space<hbm>> -> memref<1280xf32, #tpu.memory_space<hbm>>
      tpu.wait_dma2 semaphore(%run_scoped3A : memref<!tpu.dma_semaphore, #tpu.memory_space<semaphore_mem>>) src(%dma_wait3A_17 : memref<1280xf32, #tpu.memory_space<hbm>>) dst(%arg8 : memref<1280xf32, #tpu.memory_space<vmem>>)
      tpu.yield
    }) : () -> ()
    "tpu.region"() ({
      %run_scoped3A = tpu.sem_alloc : memref<!tpu.dma_semaphore, #tpu.memory_space<semaphore_mem>>
      %dma_start3A = tpu.memref_slice %arg3[%mul3A_0] : memref<20480xf32, #tpu.memory_space<hbm>> -> memref<1280xf32, #tpu.memory_space<hbm>>
      %dma_start3A_16 = tpu.memref_slice %arg3[%mul3A_0] : memref<20480xf32, #tpu.memory_space<hbm>> -> memref<1280xf32, #tpu.memory_space<hbm>>
      tpu.enqueue_dma source(%dma_start3A_16 : memref<1280xf32, #tpu.memory_space<hbm>>) target(%arg9 : memref<1280xf32, #tpu.memory_space<vmem>>) target_semaphore(%run_scoped3A : memref<!tpu.dma_semaphore, #tpu.memory_space<semaphore_mem>>)
      %dma_wait3A = tpu.memref_slice %arg3[%mul3A_0] : memref<20480xf32, #tpu.memory_space<hbm>> -> memref<1280xf32, #tpu.memory_space<hbm>>
      %dma_wait3A_17 = tpu.memref_slice %arg3[%mul3A_0] : memref<20480xf32, #tpu.memory_space<hbm>> -> memref<1280xf32, #tpu.memory_space<hbm>>
      tpu.wait_dma2 semaphore(%run_scoped3A : memref<!tpu.dma_semaphore, #tpu.memory_space<semaphore_mem>>) src(%dma_wait3A_17 : memref<1280xf32, #tpu.memory_space<hbm>>) dst(%arg9 : memref<1280xf32, #tpu.memory_space<vmem>>)
      tpu.yield
    }) : () -> ()
    "tpu.region"() ({
      %run_scoped3A = tpu.sem_alloc : memref<!tpu.dma_semaphore, #tpu.memory_space<semaphore_mem>>
      %dma_start3A = tpu.memref_slice %arg4[%mul3A_0] : memref<20480xf32, #tpu.memory_space<hbm>> -> memref<1280xf32, #tpu.memory_space<hbm>>
      %dma_start3A_16 = tpu.memref_slice %arg4[%mul3A_0] : memref<20480xf32, #tpu.memory_space<hbm>> -> memref<1280xf32, #tpu.memory_space<hbm>>
      tpu.enqueue_dma source(%dma_start3A_16 : memref<1280xf32, #tpu.memory_space<hbm>>) target(%arg10 : memref<1280xf32, #tpu.memory_space<vmem>>) target_semaphore(%run_scoped3A : memref<!tpu.dma_semaphore, #tpu.memory_space<semaphore_mem>>)
      %dma_wait3A = tpu.memref_slice %arg4[%mul3A_0] : memref<20480xf32, #tpu.memory_space<hbm>> -> memref<1280xf32, #tpu.memory_space<hbm>>
      %dma_wait3A_17 = tpu.memref_slice %arg4[%mul3A_0] : memref<20480xf32, #tpu.memory_space<hbm>> -> memref<1280xf32, #tpu.memory_space<hbm>>
      tpu.wait_dma2 semaphore(%run_scoped3A : memref<!tpu.dma_semaphore, #tpu.memory_space<semaphore_mem>>) src(%dma_wait3A_17 : memref<1280xf32, #tpu.memory_space<hbm>>) dst(%arg10 : memref<1280xf32, #tpu.memory_space<vmem>>)
      tpu.yield
    }) : () -> ()
    "tpu.region"() ({
      %run_scoped3A = tpu.sem_alloc : memref<!tpu.dma_semaphore, #tpu.memory_space<semaphore_mem>>
      %dma_start3A = tpu.memref_slice %arg5[%mul3A_0] : memref<20480xf32, #tpu.memory_space<hbm>> -> memref<1280xf32, #tpu.memory_space<hbm>>
      %dma_start3A_16 = tpu.memref_slice %arg5[%mul3A_0] : memref<20480xf32, #tpu.memory_space<hbm>> -> memref<1280xf32, #tpu.memory_space<hbm>>
      tpu.enqueue_dma source(%dma_start3A_16 : memref<1280xf32, #tpu.memory_space<hbm>>) target(%arg11 : memref<1280xf32, #tpu.memory_space<vmem>>) target_semaphore(%run_scoped3A : memref<!tpu.dma_semaphore, #tpu.memory_space<semaphore_mem>>)
      %dma_wait3A = tpu.memref_slice %arg5[%mul3A_0] : memref<20480xf32, #tpu.memory_space<hbm>> -> memref<1280xf32, #tpu.memory_space<hbm>>
      %dma_wait3A_17 = tpu.memref_slice %arg5[%mul3A_0] : memref<20480xf32, #tpu.memory_space<hbm>> -> memref<1280xf32, #tpu.memory_space<hbm>>
      tpu.wait_dma2 semaphore(%run_scoped3A : memref<!tpu.dma_semaphore, #tpu.memory_space<semaphore_mem>>) src(%dma_wait3A_17 : memref<1280xf32, #tpu.memory_space<hbm>>) dst(%arg11 : memref<1280xf32, #tpu.memory_space<vmem>>)
      tpu.yield
    }) : () -> ()
    "tpu.region"() ({
      %run_scoped3A = tpu.sem_alloc : memref<!tpu.dma_semaphore, #tpu.memory_space<semaphore_mem>>
      %dma_start3A = tpu.memref_slice %arg6[%mul3A_0] : memref<20480xf32, #tpu.memory_space<hbm>> -> memref<1280xf32, #tpu.memory_space<hbm>>
      %dma_start3A_16 = tpu.memref_slice %arg6[%mul3A_0] : memref<20480xf32, #tpu.memory_space<hbm>> -> memref<1280xf32, #tpu.memory_space<hbm>>
      tpu.enqueue_dma source(%dma_start3A_16 : memref<1280xf32, #tpu.memory_space<hbm>>) target(%arg13 : memref<1280xf32, #tpu.memory_space<vmem>>) target_semaphore(%run_scoped3A : memref<!tpu.dma_semaphore, #tpu.memory_space<semaphore_mem>>)
      %dma_wait3A = tpu.memref_slice %arg6[%mul3A_0] : memref<20480xf32, #tpu.memory_space<hbm>> -> memref<1280xf32, #tpu.memory_space<hbm>>
      %dma_wait3A_17 = tpu.memref_slice %arg6[%mul3A_0] : memref<20480xf32, #tpu.memory_space<hbm>> -> memref<1280xf32, #tpu.memory_space<hbm>>
      tpu.wait_dma2 semaphore(%run_scoped3A : memref<!tpu.dma_semaphore, #tpu.memory_space<semaphore_mem>>) src(%dma_wait3A_17 : memref<1280xf32, #tpu.memory_space<hbm>>) dst(%arg13 : memref<1280xf32, #tpu.memory_space<vmem>>)
      tpu.yield
    }) : () -> ()
    %broadcast_in_dim3A = arith.constant -3.000000e+00 : f32
    %broadcast_in_dim3A_1 = vector.broadcast %broadcast_in_dim3A : f32 to vector<16xf32>
    %broadcast_in_dim3A_2 = arith.constant 0 : i32
    %broadcast_in_dim3A_3 = vector.broadcast %broadcast_in_dim3A_2 : i32 to vector<16xi32>
    %parallel_loop3A = arith.constant 0 : i32
    %parallel_loop3A_4 = arith.constant 80 : i32
    %parallel_loop3A_5 = arith.constant 1 : i32
    %parallel_loop3A_6:2 = scf.for %parallel_loop3A_16 = %parallel_loop3A to %parallel_loop3A_4 step %parallel_loop3A_5 iter_args(%parallel_loop3A_17 = %broadcast_in_dim3A_1, %parallel_loop3A_18 = %broadcast_in_dim3A_3) -> (vector<16xf32>, vector<16xi32>)  : i32 {
      %parallel_loop3A_19 = arith.constant 16 : i32
      %parallel_loop3A_20 = arith.muli %parallel_loop3A_16, %parallel_loop3A_19 : i32
      %parallel_loop3A_21 = arith.index_cast %parallel_loop3A_20 : i32 to index
      %parallel_loop3A_22 = tpu.vector_load %arg10[%parallel_loop3A_21] {strides = array<i32>} : memref<1280xf32, #tpu.memory_space<vmem>>, vector<16xf32>,
      %parallel_loop3A_23 = arith.index_cast %parallel_loop3A_20 : i32 to index
      %parallel_loop3A_24 = tpu.vector_load %arg8[%parallel_loop3A_23] {strides = array<i32>} : memref<1280xf32, #tpu.memory_space<vmem>>, vector<16xf32>,
      %parallel_loop3A_25 = arith.subf %parallel_loop3A_22, %parallel_loop3A_24 : vector<16xf32>
      %parallel_loop3A_26 = arith.constant 0.000000e+00 : f32
      %parallel_loop3A_27 = vector.broadcast %parallel_loop3A_26 : f32 to vector<16xf32>
      %parallel_loop3A_28 = arith.maximumf %parallel_loop3A_25, %parallel_loop3A_27 : vector<16xf32>
      %parallel_loop3A_29 = arith.index_cast %parallel_loop3A_20 : i32 to index
      %parallel_loop3A_30 = tpu.vector_load %arg11[%parallel_loop3A_29] {strides = array<i32>} : memref<1280xf32, #tpu.memory_space<vmem>>, vector<16xf32>,
      %parallel_loop3A_31 = arith.index_cast %parallel_loop3A_20 : i32 to index
      %parallel_loop3A_32 = tpu.vector_load %arg9[%parallel_loop3A_31] {strides = array<i32>} : memref<1280xf32, #tpu.memory_space<vmem>>, vector<16xf32>,
      %parallel_loop3A_33 = arith.subf %parallel_loop3A_30, %parallel_loop3A_32 : vector<16xf32>
      %parallel_loop3A_34 = arith.constant 0.000000e+00 : f32
      %parallel_loop3A_35 = vector.broadcast %parallel_loop3A_34 : f32 to vector<16xf32>
      %parallel_loop3A_36 = arith.maximumf %parallel_loop3A_33, %parallel_loop3A_35 : vector<16xf32>
      %parallel_loop3A_37 = arith.mulf %parallel_loop3A_28, %parallel_loop3A_36 : vector<16xf32>
      %parallel_loop3A_38 = arith.index_cast %parallel_loop3A_20 : i32 to index
      %parallel_loop3A_39 = tpu.vector_load %arg12[%parallel_loop3A_38] {strides = array<i32>} : memref<1280xf32, #tpu.memory_space<vmem>>, vector<16xf32>,
      tpu.vector_store %arg12[%parallel_loop3A_38], %parallel_loop3A_37 {strides = array<i32>} : memref<1280xf32, #tpu.memory_space<vmem>>, vector<16xf32>,
      %parallel_loop3A_40 = arith.index_cast %parallel_loop3A_20 : i32 to index
      %parallel_loop3A_41 = tpu.vector_load %arg13[%parallel_loop3A_40] {strides = array<i32>} : memref<1280xf32, #tpu.memory_space<vmem>>, vector<16xf32>,
      %parallel_loop3A_42 = arith.cmpf ogt, %parallel_loop3A_41, %parallel_loop3A_17 : vector<16xf32>
      %parallel_loop3A_43 = arith.select %parallel_loop3A_42, %parallel_loop3A_41, %parallel_loop3A_17 : vector<16xi1>, vector<16xf32>
      %parallel_loop3A_44 = vector.broadcast %parallel_loop3A_16 : i32 to vector<16xi32>
      %parallel_loop3A_45 = arith.select %parallel_loop3A_42, %parallel_loop3A_44, %parallel_loop3A_18 : vector<16xi1>, vector<16xi32>
      scf.yield %parallel_loop3A_43, %parallel_loop3A_45 : vector<16xf32>, vector<16xi32>
    } {sc.loop_unroll_factor = 8 : i64, sc.parallel_access}
    %scan3A = arith.constant 0 : i32
    %scan3A_7 = arith.constant 100 : i32
    %scan3A_8 = arith.addi %scan3A, %scan3A_7 : i32
    %scan3A_9 = arith.constant 1 : i32
    %scan3A_10:2 = scf.for %scan3A_16 = %scan3A to %scan3A_8 step %scan3A_9 iter_args(%scan3A_17 = %parallel_loop3A_6#0, %scan3A_18 = %parallel_loop3A_6#1) -> (vector<16xf32>, vector<16xi32>)  : i32 {
      %reduce_max3A = arith.constant true
      %reduce_max3A_19 = vector.broadcast %reduce_max3A : i1 to vector<16xi1>
      %reduce_max3A_20 = tpu.scan <max>, %scan3A_17 masked %reduce_max3A_19 : vector<16xf32>, vector<16xi1> -> vector<16xf32>
      %reduce_max3A_21 = vector.extract %reduce_max3A_20[15] : f32 from vector<16xf32>
      %mul3A_22 = arith.constant 16 : i32
      %mul3A_23 = vector.broadcast %mul3A_22 : i32 to vector<16xi32>
      %mul3A_24 = arith.muli %scan3A_18, %mul3A_23 : vector<16xi32>
      %add3A = arith.addi %mul3A_24, %iota3A : vector<16xi32>
      %eq3A_25 = vector.broadcast %reduce_max3A_21 : f32 to vector<16xf32>
      %eq3A_26 = arith.cmpf oeq, %scan3A_17, %eq3A_25 : vector<16xf32>
      %jit3A = arith.constant 1073741824 : i32
      %broadcast_in_dim3A_27 = vector.broadcast %jit3A : i32 to vector<16xi32>
      %select_n3A = arith.select %eq3A_26, %add3A, %broadcast_in_dim3A_27 : vector<16xi1>, vector<16xi32>
      %reduce_min3A = arith.constant true
      %reduce_min3A_28 = vector.broadcast %reduce_min3A : i1 to vector<16xi1>
      %reduce_min3A_29 = arith.constant -2147483648 : i32
      %reduce_min3A_30 = vector.broadcast %reduce_min3A_29 : i32 to vector<16xi32>
      %reduce_min3A_31 = arith.xori %select_n3A, %reduce_min3A_30 : vector<16xi32>
      %reduce_min3A_32 = tpu.scan <min>, %reduce_min3A_31 masked %reduce_min3A_28 : vector<16xi32>, vector<16xi1> -> vector<16xi32>
      %reduce_min3A_33 = arith.xori %reduce_min3A_32, %reduce_min3A_30 : vector<16xi32>
      %reduce_min3A_34 = vector.extract %reduce_min3A_33[15] : i32 from vector<16xi32>
      %broadcast_in_dim3A_35 = vector.broadcast %reduce_min3A_34 : i32 to vector<16xi32>
      %gather3A = tpu.vector_load_idx %arg8[%broadcast_in_dim3A_35] : memref<1280xf32, #tpu.memory_space<vmem>>[vector<16xi32>], vector<16xf32>,
      %gather3A_36 = tpu.vector_load_idx %arg9[%broadcast_in_dim3A_35] : memref<1280xf32, #tpu.memory_space<vmem>>[vector<16xi32>], vector<16xf32>,
      %gather3A_37 = tpu.vector_load_idx %arg10[%broadcast_in_dim3A_35] : memref<1280xf32, #tpu.memory_space<vmem>>[vector<16xi32>], vector<16xf32>,
      %gather3A_38 = tpu.vector_load_idx %arg11[%broadcast_in_dim3A_35] : memref<1280xf32, #tpu.memory_space<vmem>>[vector<16xi32>], vector<16xf32>,
      %gather3A_39 = tpu.vector_load_idx %arg12[%broadcast_in_dim3A_35] : memref<1280xf32, #tpu.memory_space<vmem>>[vector<16xi32>], vector<16xf32>,
      %broadcast_in_dim3A_40 = vector.broadcast %reduce_max3A_21 : f32 to vector<16xf32>
      %eq3A_41 = arith.constant 0 : i32
      %eq3A_42 = vector.broadcast %eq3A_41 : i32 to vector<16xi32>
      %eq3A_43 = arith.cmpi eq, %iota3A, %eq3A_42 : vector<16xi32>
      %eq3A_44 = arith.constant 1 : i32
      %eq3A_45 = vector.broadcast %eq3A_44 : i32 to vector<16xi32>
      %eq3A_46 = arith.cmpi eq, %iota3A, %eq3A_45 : vector<16xi32>
      %eq3A_47 = arith.constant 2 : i32
      %eq3A_48 = vector.broadcast %eq3A_47 : i32 to vector<16xi32>
      %eq3A_49 = arith.cmpi eq, %iota3A, %eq3A_48 : vector<16xi32>
      %eq3A_50 = arith.constant 3 : i32
      %eq3A_51 = vector.broadcast %eq3A_50 : i32 to vector<16xi32>
      %eq3A_52 = arith.cmpi eq, %iota3A, %eq3A_51 : vector<16xi32>
      %eq3A_53 = arith.constant 4 : i32
      %eq3A_54 = vector.broadcast %eq3A_53 : i32 to vector<16xi32>
      %eq3A_55 = arith.cmpi eq, %iota3A, %eq3A_54 : vector<16xi32>
      %eq3A_56 = arith.constant 5 : i32
      %eq3A_57 = vector.broadcast %eq3A_56 : i32 to vector<16xi32>
      %eq3A_58 = arith.cmpi eq, %iota3A, %eq3A_57 : vector<16xi32>
      %jit3A_59 = arith.constant 0.000000e+00 : f32
      %broadcast_in_dim3A_60 = vector.broadcast %jit3A_59 : f32 to vector<16xf32>
      %select_n3A_61 = arith.select %eq3A_58, %gather3A_39, %broadcast_in_dim3A_60 : vector<16xi1>, vector<16xf32>
      %select_n3A_62 = arith.select %eq3A_55, %gather3A_38, %select_n3A_61 : vector<16xi1>, vector<16xf32>
      %select_n3A_63 = arith.select %eq3A_52, %gather3A_37, %select_n3A_62 : vector<16xi1>, vector<16xf32>
      %select_n3A_64 = arith.select %eq3A_49, %gather3A_36, %select_n3A_63 : vector<16xi1>, vector<16xf32>
      %select_n3A_65 = arith.select %eq3A_46, %gather3A, %select_n3A_64 : vector<16xi1>, vector<16xf32>
      %select_n3A_66 = arith.select %eq3A_43, %broadcast_in_dim3A_40, %select_n3A_65 : vector<16xi1>, vector<16xf32>
      %swap3A = arith.constant 0 : index
      %swap3A_67 = tpu.vector_load %arg15[%swap3A] {strides = array<i32>} : memref<16xf32, #tpu.memory_space<vmem>>, vector<16xf32>,
      tpu.vector_store %arg15[%swap3A], %select_n3A_66 {strides = array<i32>} : memref<16xf32, #tpu.memory_space<vmem>>, vector<16xf32>,
      %rem3A = arith.constant 2 : i32
      %rem3A_68 = arith.remsi %scan3A_16, %rem3A : i32
      %mul3A_69 = arith.constant 256 : i32
      %mul3A_70 = arith.muli %rem3A_68, %mul3A_69 : i32
      %mul3A_71 = arith.constant 16 : i32
      %mul3A_72 = arith.muli %arg1, %mul3A_71 : i32
      %add3A_73 = arith.addi %mul3A_70, %mul3A_72 : i32
      "tpu.region"() ({
        %run_scoped3A = tpu.sem_alloc : memref<!tpu.dma_semaphore, #tpu.memory_space<semaphore_mem>>
        %dma_start3A = tpu.memref_slice %arg17[%add3A_73] : memref<512xf32, #tpu.memory_space<vmem_shared>> -> memref<16xf32, #tpu.memory_space<vmem_shared>>
        %dma_start3A_133 = tpu.memref_slice %arg17[%add3A_73] : memref<512xf32, #tpu.memory_space<vmem_shared>> -> memref<16xf32, #tpu.memory_space<vmem_shared>>
        tpu.enqueue_dma source(%arg15 : memref<16xf32, #tpu.memory_space<vmem>>) target(%dma_start3A_133 : memref<16xf32, #tpu.memory_space<vmem_shared>>) target_semaphore(%run_scoped3A : memref<!tpu.dma_semaphore, #tpu.memory_space<semaphore_mem>>)
        %dma_wait3A = tpu.memref_slice %arg17[%add3A_73] : memref<512xf32, #tpu.memory_space<vmem_shared>> -> memref<16xf32, #tpu.memory_space<vmem_shared>>
        %dma_wait3A_134 = tpu.memref_slice %arg17[%add3A_73] : memref<512xf32, #tpu.memory_space<vmem_shared>> -> memref<16xf32, #tpu.memory_space<vmem_shared>>
        tpu.wait_dma2 semaphore(%run_scoped3A : memref<!tpu.dma_semaphore, #tpu.memory_space<semaphore_mem>>) src(%arg15 : memref<16xf32, #tpu.memory_space<vmem>>) dst(%dma_wait3A_134 : memref<16xf32, #tpu.memory_space<vmem_shared>>)
        tpu.yield
      }) : () -> ()
      %barrier3A = arith.constant 0 : index
      tpu.barrier barrier_id(%barrier3A)
      %mul3A_74 = arith.constant 256 : i32
      %mul3A_75 = arith.muli %rem3A_68, %mul3A_74 : i32
      "tpu.region"() ({
        %run_scoped3A = tpu.sem_alloc : memref<!tpu.dma_semaphore, #tpu.memory_space<semaphore_mem>>
        %dma_start3A = tpu.memref_slice %arg17[%mul3A_75] : memref<512xf32, #tpu.memory_space<vmem_shared>> -> memref<256xf32, #tpu.memory_space<vmem_shared>>
        %dma_start3A_133 = tpu.memref_slice %arg17[%mul3A_75] : memref<512xf32, #tpu.memory_space<vmem_shared>> -> memref<256xf32, #tpu.memory_space<vmem_shared>>
        tpu.enqueue_dma source(%dma_start3A_133 : memref<256xf32, #tpu.memory_space<vmem_shared>>) target(%arg14 : memref<256xf32, #tpu.memory_space<vmem>>) target_semaphore(%run_scoped3A : memref<!tpu.dma_semaphore, #tpu.memory_space<semaphore_mem>>)
        %dma_wait3A = tpu.memref_slice %arg17[%mul3A_75] : memref<512xf32, #tpu.memory_space<vmem_shared>> -> memref<256xf32, #tpu.memory_space<vmem_shared>>
        %dma_wait3A_134 = tpu.memref_slice %arg17[%mul3A_75] : memref<512xf32, #tpu.memory_space<vmem_shared>> -> memref<256xf32, #tpu.memory_space<vmem_shared>>
        tpu.wait_dma2 semaphore(%run_scoped3A : memref<!tpu.dma_semaphore, #tpu.memory_space<semaphore_mem>>) src(%dma_wait3A_134 : memref<256xf32, #tpu.memory_space<vmem_shared>>) dst(%arg14 : memref<256xf32, #tpu.memory_space<vmem>>)
        tpu.yield
      }) : () -> ()
      %mul3A_76 = arith.constant 16 : i32
      %mul3A_77 = vector.broadcast %mul3A_76 : i32 to vector<16xi32>
      %mul3A_78 = arith.muli %iota3A, %mul3A_77 : vector<16xi32>
      %gather3A_79 = tpu.vector_load_idx %arg14[%mul3A_78] : memref<256xf32, #tpu.memory_space<vmem>>[vector<16xi32>], vector<16xf32>,
      %reduce_max3A_80 = arith.constant true
      %reduce_max3A_81 = vector.broadcast %reduce_max3A_80 : i1 to vector<16xi1>
      %reduce_max3A_82 = tpu.scan <max>, %gather3A_79 masked %reduce_max3A_81 : vector<16xf32>, vector<16xi1> -> vector<16xf32>
      %reduce_max3A_83 = vector.extract %reduce_max3A_82[15] : f32 from vector<16xf32>
      %eq3A_84 = vector.broadcast %reduce_max3A_83 : f32 to vector<16xf32>
      %eq3A_85 = arith.cmpf oeq, %gather3A_79, %eq3A_84 : vector<16xf32>
      %jit3A_86 = arith.constant 1073741824 : i32
      %broadcast_in_dim3A_87 = vector.broadcast %jit3A_86 : i32 to vector<16xi32>
      %select_n3A_88 = arith.select %eq3A_85, %iota3A, %broadcast_in_dim3A_87 : vector<16xi1>, vector<16xi32>
      %reduce_min3A_89 = arith.constant true
      %reduce_min3A_90 = vector.broadcast %reduce_min3A_89 : i1 to vector<16xi1>
      %reduce_min3A_91 = arith.constant -2147483648 : i32
      %reduce_min3A_92 = vector.broadcast %reduce_min3A_91 : i32 to vector<16xi32>
      %reduce_min3A_93 = arith.xori %select_n3A_88, %reduce_min3A_92 : vector<16xi32>
      %reduce_min3A_94 = tpu.scan <min>, %reduce_min3A_93 masked %reduce_min3A_90 : vector<16xi32>, vector<16xi1> -> vector<16xi32>
      %reduce_min3A_95 = arith.xori %reduce_min3A_94, %reduce_min3A_92 : vector<16xi32>
      %reduce_min3A_96 = vector.extract %reduce_min3A_95[15] : i32 from vector<16xi32>
      %mul3A_97 = arith.constant 16 : i32
      %mul3A_98 = arith.muli %reduce_min3A_96, %mul3A_97 : i32
      %add3A_99 = arith.constant 1 : i32
      %add3A_100 = arith.addi %mul3A_98, %add3A_99 : i32
      %broadcast_in_dim3A_101 = vector.broadcast %add3A_100 : i32 to vector<16xi32>
      %gather3A_102 = tpu.vector_load_idx %arg14[%broadcast_in_dim3A_101] : memref<256xf32, #tpu.memory_space<vmem>>[vector<16xi32>], vector<16xf32>,
      %add3A_103 = arith.constant 2 : i32
      %add3A_104 = arith.addi %mul3A_98, %add3A_103 : i32
      %broadcast_in_dim3A_105 = vector.broadcast %add3A_104 : i32 to vector<16xi32>
      %gather3A_106 = tpu.vector_load_idx %arg14[%broadcast_in_dim3A_105] : memref<256xf32, #tpu.memory_space<vmem>>[vector<16xi32>], vector<16xf32>,
      %add3A_107 = arith.constant 3 : i32
      %add3A_108 = arith.addi %mul3A_98, %add3A_107 : i32
      %broadcast_in_dim3A_109 = vector.broadcast %add3A_108 : i32 to vector<16xi32>
      %gather3A_110 = tpu.vector_load_idx %arg14[%broadcast_in_dim3A_109] : memref<256xf32, #tpu.memory_space<vmem>>[vector<16xi32>], vector<16xf32>,
      %add3A_111 = arith.constant 4 : i32
      %add3A_112 = arith.addi %mul3A_98, %add3A_111 : i32
      %broadcast_in_dim3A_113 = vector.broadcast %add3A_112 : i32 to vector<16xi32>
      %gather3A_114 = tpu.vector_load_idx %arg14[%broadcast_in_dim3A_113] : memref<256xf32, #tpu.memory_space<vmem>>[vector<16xi32>], vector<16xf32>,
      %add3A_115 = arith.constant 5 : i32
      %add3A_116 = arith.addi %mul3A_98, %add3A_115 : i32
      %broadcast_in_dim3A_117 = vector.broadcast %add3A_116 : i32 to vector<16xi32>
      %gather3A_118 = tpu.vector_load_idx %arg14[%broadcast_in_dim3A_117] : memref<256xf32, #tpu.memory_space<vmem>>[vector<16xi32>], vector<16xf32>,
      %gt3A = arith.constant -1.000000e+00 : f32
      %gt3A_119 = arith.cmpf ogt, %reduce_max3A_83, %gt3A : f32
      %broadcast_in_dim3A_120 = vector.broadcast %gt3A_119 : i1 to vector<16xi1>
      %eq3A_121 = arith.constant 0 : i32
      %eq3A_122 = arith.cmpi eq, %arg0, %eq3A_121 : i32
      %eq3A_123 = arith.constant 0 : i32
      %eq3A_124 = arith.cmpi eq, %arg1, %eq3A_123 : i32
      %and3A_125 = arith.andi %eq3A_122, %eq3A_124 : i1
      %convert_element_type3A_126 = arith.extui %and3A_125 : i1 to i32
      %cond3A_127 = arith.constant 0 : i32
      %cond3A_128 = arith.cmpi ne, %convert_element_type3A_126, %cond3A_127 : i32
      scf.if %cond3A_128 {
        %jit3A_133 = arith.constant 1.000000e+00 : f32
        %jit3A_134 = arith.constant 0.000000e+00 : f32
        %broadcast_in_dim3A_135 = vector.broadcast %jit3A_133 : f32 to vector<16xf32>
        %broadcast_in_dim3A_136 = vector.broadcast %jit3A_134 : f32 to vector<16xf32>
        %select_n3A_137 = arith.select %broadcast_in_dim3A_120, %broadcast_in_dim3A_135, %broadcast_in_dim3A_136 : vector<16xi1>, vector<16xf32>
        %lt3A = arith.constant 4 : i32
        %lt3A_138 = vector.broadcast %lt3A : i32 to vector<16xi32>
        %lt3A_139 = arith.cmpi slt, %iota3A, %lt3A_138 : vector<16xi32>
        %add3A_140 = arith.constant 1 : i32
        %add3A_141 = vector.broadcast %add3A_140 : i32 to vector<16xi32>
        %add3A_142 = arith.addi %iota3A, %add3A_141 : vector<16xi32>
        %eq3A_143 = arith.constant 4 : i32
        %eq3A_144 = vector.broadcast %eq3A_143 : i32 to vector<16xi32>
        %eq3A_145 = arith.cmpi eq, %iota3A, %eq3A_144 : vector<16xi32>
        %jit3A_146 = arith.constant 0 : i32
        %jit3A_147 = arith.constant 6 : i32
        %broadcast_in_dim3A_148 = vector.broadcast %jit3A_146 : i32 to vector<16xi32>
        %broadcast_in_dim3A_149 = vector.broadcast %jit3A_147 : i32 to vector<16xi32>
        %select_n3A_150 = arith.select %eq3A_145, %broadcast_in_dim3A_148, %broadcast_in_dim3A_149 : vector<16xi1>, vector<16xi32>
        %select_n3A_151 = arith.select %lt3A_139, %add3A_142, %select_n3A_150 : vector<16xi1>, vector<16xi32>
        %add3A_152 = vector.broadcast %mul3A_98 : i32 to vector<16xi32>
        %add3A_153 = arith.addi %add3A_152, %select_n3A_151 : vector<16xi32>
        %gather3A_154 = tpu.vector_load_idx %arg14[%add3A_153] : memref<256xf32, #tpu.memory_space<vmem>>[vector<16xi32>], vector<16xf32>,
        %lt3A_155 = arith.constant 5 : i32
        %lt3A_156 = vector.broadcast %lt3A_155 : i32 to vector<16xi32>
        %lt3A_157 = arith.cmpi slt, %iota3A, %lt3A_156 : vector<16xi32>
        %mul3A_158 = arith.mulf %gather3A_154, %select_n3A_137 : vector<16xf32>
        %jit3A_159 = arith.constant 0.000000e+00 : f32
        %broadcast_in_dim3A_160 = vector.broadcast %jit3A_159 : f32 to vector<16xf32>
        %select_n3A_161 = arith.select %lt3A_157, %mul3A_158, %broadcast_in_dim3A_160 : vector<16xi1>, vector<16xf32>
        %mul3A_162 = arith.constant 16 : i32
        %mul3A_163 = arith.muli %scan3A_16, %mul3A_162 : i32
        %swap3A_164 = arith.index_cast %mul3A_163 : i32 to index
        %swap3A_165 = tpu.vector_load %arg16[%swap3A_164] {strides = array<i32>} : memref<1600xf32, #tpu.memory_space<vmem>>, vector<16xf32>,
        tpu.vector_store %arg16[%swap3A_164], %select_n3A_161 {strides = array<i32>} : memref<1600xf32, #tpu.memory_space<vmem>>, vector<16xf32>,
      } else {
      }
      %parallel_loop3A_129 = arith.constant 0 : i32
      %parallel_loop3A_130 = arith.constant 80 : i32
      %parallel_loop3A_131 = arith.constant 1 : i32
      %parallel_loop3A_132:2 = scf.for %parallel_loop3A_133 = %parallel_loop3A_129 to %parallel_loop3A_130 step %parallel_loop3A_131 iter_args(%parallel_loop3A_134 = %broadcast_in_dim3A_1, %parallel_loop3A_135 = %broadcast_in_dim3A_3) -> (vector<16xf32>, vector<16xi32>)  : i32 {
        %parallel_loop3A_136 = arith.constant 16 : i32
        %parallel_loop3A_137 = arith.muli %parallel_loop3A_133, %parallel_loop3A_136 : i32
        %parallel_loop3A_138 = arith.index_cast %parallel_loop3A_137 : i32 to index
        %parallel_loop3A_139 = tpu.vector_load %arg8[%parallel_loop3A_138] {strides = array<i32>} : memref<1280xf32, #tpu.memory_space<vmem>>, vector<16xf32>,
        %parallel_loop3A_140 = arith.index_cast %parallel_loop3A_137 : i32 to index
        %parallel_loop3A_141 = tpu.vector_load %arg9[%parallel_loop3A_140] {strides = array<i32>} : memref<1280xf32, #tpu.memory_space<vmem>>, vector<16xf32>,
        %parallel_loop3A_142 = arith.index_cast %parallel_loop3A_137 : i32 to index
        %parallel_loop3A_143 = tpu.vector_load %arg10[%parallel_loop3A_142] {strides = array<i32>} : memref<1280xf32, #tpu.memory_space<vmem>>, vector<16xf32>,
        %parallel_loop3A_144 = arith.index_cast %parallel_loop3A_137 : i32 to index
        %parallel_loop3A_145 = tpu.vector_load %arg11[%parallel_loop3A_144] {strides = array<i32>} : memref<1280xf32, #tpu.memory_space<vmem>>, vector<16xf32>,
        %parallel_loop3A_146 = arith.index_cast %parallel_loop3A_137 : i32 to index
        %parallel_loop3A_147 = tpu.vector_load %arg12[%parallel_loop3A_146] {strides = array<i32>} : memref<1280xf32, #tpu.memory_space<vmem>>, vector<16xf32>,
        %parallel_loop3A_148 = arith.index_cast %parallel_loop3A_137 : i32 to index
        %parallel_loop3A_149 = tpu.vector_load %arg13[%parallel_loop3A_148] {strides = array<i32>} : memref<1280xf32, #tpu.memory_space<vmem>>, vector<16xf32>,
        %parallel_loop3A_150 = arith.maximumf %gather3A_102, %parallel_loop3A_139 : vector<16xf32>
        %parallel_loop3A_151 = arith.maximumf %gather3A_106, %parallel_loop3A_141 : vector<16xf32>
        %parallel_loop3A_152 = arith.minimumf %gather3A_110, %parallel_loop3A_143 : vector<16xf32>
        %parallel_loop3A_153 = arith.minimumf %gather3A_114, %parallel_loop3A_145 : vector<16xf32>
        %parallel_loop3A_154 = arith.subf %parallel_loop3A_152, %parallel_loop3A_150 : vector<16xf32>
        %parallel_loop3A_155 = arith.constant 0.000000e+00 : f32
        %parallel_loop3A_156 = vector.broadcast %parallel_loop3A_155 : f32 to vector<16xf32>
        %parallel_loop3A_157 = arith.maximumf %parallel_loop3A_154, %parallel_loop3A_156 : vector<16xf32>
        %parallel_loop3A_158 = arith.subf %parallel_loop3A_153, %parallel_loop3A_151 : vector<16xf32>
        %parallel_loop3A_159 = arith.constant 0.000000e+00 : f32
        %parallel_loop3A_160 = vector.broadcast %parallel_loop3A_159 : f32 to vector<16xf32>
        %parallel_loop3A_161 = arith.maximumf %parallel_loop3A_158, %parallel_loop3A_160 : vector<16xf32>
        %parallel_loop3A_162 = arith.mulf %parallel_loop3A_157, %parallel_loop3A_161 : vector<16xf32>
        %parallel_loop3A_163 = arith.addf %gather3A_118, %parallel_loop3A_147 : vector<16xf32>
        %parallel_loop3A_164 = arith.subf %parallel_loop3A_163, %parallel_loop3A_162 : vector<16xf32>
        %parallel_loop3A_165 = arith.constant 9.99999971E-10 : f32
        %parallel_loop3A_166 = vector.broadcast %parallel_loop3A_165 : f32 to vector<16xf32>
        %parallel_loop3A_167 = arith.addf %parallel_loop3A_164, %parallel_loop3A_166 : vector<16xf32>
        %parallel_loop3A_168 = arith.divf %parallel_loop3A_162, %parallel_loop3A_167 : vector<16xf32>
        %parallel_loop3A_169 = arith.constant 5.000000e-01 : f32
        %parallel_loop3A_170 = vector.broadcast %parallel_loop3A_169 : f32 to vector<16xf32>
        %parallel_loop3A_171 = arith.cmpf ogt, %parallel_loop3A_168, %parallel_loop3A_170 : vector<16xf32>
        %parallel_loop3A_172 = arith.constant -2.000000e+00 : f32
        %parallel_loop3A_173 = vector.broadcast %parallel_loop3A_172 : f32 to vector<16xf32>
        %parallel_loop3A_174 = arith.select %parallel_loop3A_171, %parallel_loop3A_173, %parallel_loop3A_149 : vector<16xi1>, vector<16xf32>
        %parallel_loop3A_175 = arith.index_cast %parallel_loop3A_137 : i32 to index
        %parallel_loop3A_176 = tpu.vector_load %arg13[%parallel_loop3A_175] {strides = array<i32>} : memref<1280xf32, #tpu.memory_space<vmem>>, vector<16xf32>,
        tpu.vector_store %arg13[%parallel_loop3A_175], %parallel_loop3A_174 {strides = array<i32>} : memref<1280xf32, #tpu.memory_space<vmem>>, vector<16xf32>,
        %parallel_loop3A_177 = arith.cmpf ogt, %parallel_loop3A_174, %parallel_loop3A_134 : vector<16xf32>
        %parallel_loop3A_178 = arith.select %parallel_loop3A_177, %parallel_loop3A_174, %parallel_loop3A_134 : vector<16xi1>, vector<16xf32>
        %parallel_loop3A_179 = vector.broadcast %parallel_loop3A_133 : i32 to vector<16xi32>
        %parallel_loop3A_180 = arith.select %parallel_loop3A_177, %parallel_loop3A_179, %parallel_loop3A_135 : vector<16xi1>, vector<16xi32>
        scf.yield %parallel_loop3A_178, %parallel_loop3A_180 : vector<16xf32>, vector<16xi32>
      } {sc.loop_unroll_factor = 4 : i64, sc.parallel_access}
      scf.yield %parallel_loop3A_132#0, %parallel_loop3A_132#1 : vector<16xf32>, vector<16xi32>
    }
    %scan3A_11 = arith.constant 100 : i32
    %eq3A = arith.constant 0 : i32
    %eq3A_12 = arith.cmpi eq, %arg0, %eq3A : i32
    %eq3A_13 = arith.constant 0 : i32
    %eq3A_14 = arith.cmpi eq, %arg1, %eq3A_13 : i32
    %and3A = arith.andi %eq3A_12, %eq3A_14 : i1
    %convert_element_type3A = arith.extui %and3A : i1 to i32
    %cond3A = arith.constant 0 : i32
    %cond3A_15 = arith.cmpi ne, %convert_element_type3A, %cond3A : i32
    scf.if %cond3A_15 {
      "tpu.region"() ({
        %run_scoped3A = tpu.sem_alloc : memref<!tpu.dma_semaphore, #tpu.memory_space<semaphore_mem>>
        tpu.enqueue_dma source(%arg16 : memref<1600xf32, #tpu.memory_space<vmem>>) target(%arg7 : memref<1600xf32, #tpu.memory_space<hbm>>) target_semaphore(%run_scoped3A : memref<!tpu.dma_semaphore, #tpu.memory_space<semaphore_mem>>)
        tpu.wait_dma2 semaphore(%run_scoped3A : memref<!tpu.dma_semaphore, #tpu.memory_space<semaphore_mem>>) src(%arg16 : memref<1600xf32, #tpu.memory_space<vmem>>) dst(%arg7 : memref<1600xf32, #tpu.memory_space<hbm>>)
        tpu.yield
      }) : () -> ()
    } else {
    }
    return
  }
}

</mosaic_0001>

<sc_bundles>
// kernel: kernel.3.cloned.1.call-start
scs
__scs_entry_jumppad:
0x0: {  	(pc) =	sbr.rel $0x88, $3  }
0x1: {  	(tag) =	ssettag $0x0;
	lr =	simm.s32 $0x1  }
0x2: {  	[smem:$0x3F9F] =	sst lr;
	_ =	strace $0xD0000000  }
0x3: {  	_ = 	snop  }
0x4: {  	_ = 	snop  }
0x5: {  	_ = 	snop  }
0x6: {  	_ = 	snop  }
0x7: {  	_ = 	snop  }
__scs_overlays_trampoline_lowered:
0x8: {  	[smem:$0x3FAE] =	sst s0  }
0x9: {  	[smem:$0x3FAF] =	sst s1  }
0xa: {  	[smem:$0x3FB0] =	sst s2  }
0xb: {  	[smem:$0x3FB1] =	sst s3  }
0xc: {  	[smem:$0x3FB2] =	sst s4  }
0xd: {  	[smem:$0x3FB3] =	sst s5  }
0xe: {  	[smem:$0x3FB4] =	sst s6  }
0xf: {  	[smem:$0x3FB5] =	sst s7  }
0x10: {  	[smem:$0x3FB6] =	sst s8  }
0x11: {  	[smem:$0x3FB7] =	sst s9;
	s0 =	simm.s32 @!p0 $0x0  }
0x12: {  	s1 =	sld [smem:$0x3F9D];
	s0 =	simm.s32 @p0 $0x1  }
0x13: {  	[smem:$0x3FB8] =	sst s0;
	s0 =	simm.s32 @!p1 $0x0  }
0x14: {  	s2 =	sld [smem:$0x3F9C];
	s0 =	simm.s32 @p1 $0x1  }
0x15: {  	[smem:$0x3FB9] =	sst s0;
	s0 =	simm.s32 @!p2 $0x0  }
0x16: {  	s3 =	sld [smem:$0x3FDB];
	s0 =	simm.s32 @p2 $0x1  }
0x17: {  	s4 =	simm.s32 $0x1BF5;
	[smem:$0x3FBB] =	sst s0  }
0x18: {  	s0 =	sld [smem:$0x3F9E];
	_ =	swait.ge [sflag:s4], $0x0  }
0x19: {  	s7 =	sld [smem:$0x3F9F]  }
0x1a: {  	s8 =	sadd.s32 $0xFFFFE003, lr  }
0x1b: {  	s9 =	sadd.s32 $0xFFFFFEF7, lr;
	s5 =	simm.s32 $0xFFFFFFFF;
	p2 =	slt.u32 s8, $0xFFFFF086  }
0x1c: {  	p1 =	slt.u32 s9, $0xF7A;
	s5 =	simm.s32 @!p2 $0x0  }
0x1d: {  	s5 =	simm.s32 @p1 $0x1;
	p0 =	seq.s32 s7, s2  }
0x1e: {  	s7 =	smul.u32 @!p0 $0xF7A, s2;
	p2 =	seq.s32 @!p0 s5, $0x0  }
0x1f: {  	s9 =	smul.u32 $0xF7A, s1;
	s8 =	simm.s32 @!p0 $0x1BF5;
	p2 =	por !p2, p0  }
0x20: {  	[sflag:s8] =	ssyncset.s32 @!p0 $0xFFFFF086;
	s6 =	sadd.s32 @!p0 s3, s7;
	s7 =	simm.s32 @!p0 $0x108  }
0x21: {  	s3 =	sadd.s32 s3, s9;
	s6 =	sadd.s32 @!p0 $0x88, s6;
	s7 =	simm.s32 @p2 $0x1082  }
0x22: {  	[simem:s7], [sflag:s8] =	dma.local @!p0 [hbm:s6], $0xF7A  }
0x23: {  	s9 =	sor.u32 $0xD0000000, s2;
	s6 =	simm.s32 $0x108;
	_ =	swait.ge @!p0 [sflag:s8], $0x0  }
0x24: {  	s3 =	sadd.s32 $0x88, s3;
	s6 =	simm.s32 @!p1 $0x1082;
	[sflag:s4] =	ssyncset.s32 $0xFFFFF086  }
0x25: {  	[simem:s6], [sflag:s4] =	dma.local [hbm:s3], $0xF7A  }
0x26: {  	[smem:$0x3F9F] =	sst s1;
	(tag) =	ssettag s2;
	_ =	strace s9  }
0x27: {  	s1 =	sld [smem:$0x3FAF]  }
0x28: {  	s2 =	sld [smem:$0x3FB0]  }
0x29: {  	s4 =	sld [smem:$0x3FB2]  }
0x2a: {  	p0 =	seq.s32 s5, $0x0;
	s5 =	sld [smem:$0x3FB3]  }
0x2b: {  	s6 =	sld [smem:$0x3FB4]  }
0x2c: {  	s7 =	sld [smem:$0x3FB5]  }
0x2d: {  	s3 =	simm.s32 $0x108;
	s8 =	sld [smem:$0x3FB6]  }
0x2e: {  	s3 =	simm.s32 @!p0 $0x1082;
	s9 =	sld [smem:$0x3FB7]  }
0x2f: {  	lr =	sadd.s32 s0, s3;
	s0 =	sld [smem:$0x3FAE]  }
0x30: {  	s3 =	sld [smem:$0x3FB1]  }
0x31: {  	[smem:$0x3FBA] =	sst s10  }
0x32: {  	s10 =	sld [smem:$0x3FB8];
	_ =	sdelay $0x3  }
0x33: {  	p0 =	seq.s32 s10, $0x1;
	s10 =	sld [smem:$0x3FBA];
	_ =	sdelay $0x3  }
0x34: {  	[smem:$0x3FBA] =	sst s10  }
0x35: {  	s10 =	sld [smem:$0x3FB9];
	_ =	sdelay $0x3  }
0x36: {  	p1 =	seq.s32 s10, $0x1;
	s10 =	sld [smem:$0x3FBA];
	_ =	sdelay $0x3  }
0x37: {  	[smem:$0x3FBA] =	sst s10  }
0x38: {  	s10 =	sld [smem:$0x3FBB]  }
0x39: {  	_ = 	snop;
	(pc) =	sbr.ind lr, $3  }
0x3a: {  	_ = 	snop  }
0x3b: {  	_ = 	snop  }
0x3c: {  	p2 =	seq.s32 s10, $0x1;
	s10 =	sld [smem:$0x3FBA]  }
0x3d: {  	_ =	shalt  }
0x3e: {  	_ =	shalt  }
0x3f: {  	_ =	shalt  }
0x40: {  	_ =	shalt  }
0x41: {  	_ =	shalt  }
0x42: {  	_ =	shalt  }
0x43: {  	_ =	shalt  }
0x44: {  	_ =	shalt  }
0x45: {  	_ =	shalt  }
0x46: {  	_ =	shalt  }
0x47: {  	_ =	shalt  }
0x48: {  	_ =	shalt  }
0x49: {  	_ =	shalt  }
0x4a: {  	_ =	shalt  }
0x4b: {  	_ =	shalt  }
0x4c: {  	_ =	shalt  }
0x4d: {  	_ =	shalt  }
0x4e: {  	_ =	shalt  }
0x4f: {  	_ =	shalt  }
0x50: {  	_ =	shalt  }
0x51: {  	_ =	shalt  }
0x52: {  	_ =	shalt  }
0x53: {  	_ =	shalt  }
0x54: {  	_ =	shalt  }
0x55: {  	_ =	shalt  }
0x56: {  	_ =	shalt  }
0x57: {  	_ =	shalt  }
0x58: {  	_ =	shalt  }
0x59: {  	_ =	shalt  }
0x5a: {  	_ =	shalt  }
0x5b: {  	_ =	shalt  }
0x5c: {  	_ =	shalt  }
0x5d: {  	_ =	shalt  }
0x5e: {  	_ =	shalt  }
0x5f: {  	_ =	shalt  }
0x60: {  	_ =	shalt  }
0x61: {  	_ =	shalt  }
0x62: {  	_ =	shalt  }
0x63: {  	_ =	shalt  }
0x64: {  	_ =	shalt  }
0x65: {  	_ =	shalt  }
0x66: {  	_ =	shalt  }
0x67: {  	_ =	shalt  }
0x68: {  	_ =	shalt  }
0x69: {  	_ =	shalt  }
0x6a: {  	_ =	shalt  }
0x6b: {  	_ =	shalt  }
0x6c: {  	_ =	shalt  }
0x6d: {  	_ =	shalt  }
0x6e: {  	_ =	shalt  }
0x6f: {  	_ =	shalt  }
0x70: {  	_ =	shalt  }
0x71: {  	_ =	shalt  }
0x72: {  	_ =	shalt  }
0x73: {  	_ =	shalt  }
0x74: {  	_ =	shalt  }
0x75: {  	_ =	shalt  }
0x76: {  	_ =	shalt  }
0x77: {  	_ =	shalt  }
0x78: {  	_ =	shalt  }
0x79: {  	_ =	shalt  }
0x7a: {  	_ =	shalt  }
0x7b: {  	_ =	shalt  }
0x7c: {  	_ =	shalt  }
0x7d: {  	_ =	shalt  }
0x7e: {  	_ =	shalt  }
0x7f: {  	_ =	shalt  }
0x80: {  	_ =	shalt  }
0x81: {  	_ =	shalt  }
0x82: {  	_ =	shalt  }
0x83: {  	_ =	shalt  }
0x84: {  	_ =	shalt  }
0x85: {  	_ =	shalt  }
0x86: {  	_ =	shalt  }
0x87: {  	_ =	shalt  }
.Lfunc_end0:
.L_simem_size_0:
called_computation_lowered:
.L_overlay_start_0:
0x88: {  	s2 =	sld [smem:$0x3FD9]  }
0x89: {  	s3 =	sld [smem:$0x3FFE];
	_ =	sdelay $0x1  }
0x8a: {  	s1 =	srdreg.scid  }
0x8b: {  	s0 =	sand.u32 $0x1, s1  }
0x8c: {  	s16 =	sshll.u32 s0, $0xA;
	s2 =	sadd.s32 s3, s2  }
0x8d: {  	s2 =	sadd.s32 s2, s16  }
0x8e: {  	[smem:$0x3FC6] =	sst s2  }
0x8f: {  	_ = 	snop  }
0x90: {  	(tm) =	ssettm $0x1  }
0x91: {  	s17 =	sld [smem:$0x3FFB];
	_ =	sdelay $0x3  }
0x92: {  	_ =	strace s17  }
0x93: {  	s2 =	sld [smem:$0x3FFC];
	_ =	sdelay $0x3  }
0x94: {  	_ =	strace s2  }
0x95: {  	s2 =	sld [smem:$0x3FFD];
	_ =	sdelay $0x3  }
0x96: {  	_ =	strace s2  }
0x97: {  	_ =	strace $0x8FFFFFFF  }
0x98: {  	s18 =	sld [smem:$0x3FDB];
	_ =	sdelay $0x1  }
0x99: {  	s19 =	simm.s32 $_scs_section_size  }
0x9a: {  	s4 =	simm.s32 $_size__tile_overlayer_lowered;
	s5 =	simm.s32 $_tile_overlayer_lowered  }
0x9b: {  	s22 =	simm.s32 $0x1BFF;
	s21 =	sshll.u32 s5, $0x1;
	s2 =	sadd.s32 s19, s18  }
0x9c: {  	s6 =	simm.s32 $0x0;
	s20 =	sshll.u32 s4, $0x1;
	s4 =	sadd.s32 s21, s2  }
0x9d: {  	[timem:s6], [sflag:s22] =	dma.local [hbm:s4], s20  }
0x9e: {  	_ =	swait.ge [sflag:s22], s20  }
0x9f: {  	s3 =	ssub.s32 $0x0, s20;
	[sflag:s22] =	ssyncset.done $0x0  }
0xa0: {  	[sflag:s22] =	ssyncadd.s32 s3;
	_ =	sdelay $0x1  }
0xa1: {  	s23 =	simm.s32 $0x1B8B  }
0xa2: {  	_ =	swait.ge [sflag:s23], $0x1  }
0xa3: {  	[sflag:s23] =	ssyncset.done $0x0  }
0xa4: {  	s25 =	simm.s32 $0x1B8E;
	s24 =	sld [smem:$0x3FFE];
	[sflag:s23] =	ssyncadd.s32 $0xFFFFFFFF  }
0xa5: {  	s26 =	simm.s32 $execute0_lowered;
	[smem:$0x3FD2] =	sst s25  }
0xa6: {  	s4 =	sshll.u32 s26, $0x1;
	_ =	strace $0x80000046;
	[dreg:$0x1] =	wrdreg $0xFFFFFFFF  }
0xa7: {  	s28 =	simm.s32 $_size_execute0_lowered;
	s2 =	sadd.s32 s2, s4;
	[dreg:$0x0] =	wrdreg $0x0  }
0xa8: {  	s4 =	sshll.u32 s28, $0x1;
	[dreg:$0x2] =	wrdreg s2  }
0xa9: {  	[dreg:$0x3] =	wrdreg s4  }
0xaa: {  	[dreg:$0x4] =	wrdreg $0xC0  }
0xab: {  	_ =	task [dreg:s6], $0x5FFFF  }
0xac: {  	[dreg:$0x1] =	wrdreg $0xFFFFFFFF  }
0xad: {  	[dreg:$0x0] =	wrdreg $0x60  }
0xae: {  	[dreg:$0x2] =	wrdreg s24  }
0xaf: {  	[dreg:$0x3] =	wrdreg $0x26000  }
0xb0: {  	[dreg:$0x4] =	wrdreg $0x9  }
0xb1: {  	_ =	task.clear_ibuf [dreg:s6], $0x5FFFF;
	_ =	strace $0x90000046  }
0xb2: {  	s29 =	simm.s32 $0x9;
	_ =	strace $0x80000048  }
0xb3: {  	_ =	swait.ge [sflag:s29], $0x1  }
0xb4: {  	[sflag:s29] =	ssyncadd.s32 $0xFFFFFFFF  }
0xb5: {  	_ =	strace $0x90000048  }
0xb6: {  	_ =	sfence  }
0xb7: {  	s30 =	sld [smem:$0x0];
	_ =	sdelay $0x2  }
0xb8: {  	s31 =	sshll.u32 s1, $0xD;
	s1 =	sshrl.u32 s1, $0x2  }
0xb9: {  	s3 =	sand.u32 $0x4000, s31;
	s1 =	sadd.s32 s1, s30  }
0xba: {  	s0 =	sor.u32 s3, s0;
	s1 =	sshll.u32 s1, $0x11  }
0xbb: {  	s0 =	sor.u32 s1, s0  }
0xbc: {  	s0 =	sadd.s32 $0x8F2B, s0  }
0xbd: {  	[sflag:s0] =	ssyncadd.remote.s32 $0x1  }
0xbe: {  	_ =	sfence.sel $0xFFFF  }
0xbf: {  	[dreg:$0x0] =	wrdreg $0xFFFFFFFF;
	(pc) =	sbr.abs _section_cstart, $3  }
0xc0: {  	[dreg:$0x1] =	wrdreg $0xFFFFFFFF  }
0xc1: {  	_ =	task.clear_ibuf [dreg:s6], $0x2FFFF;
	_ =	strace $0x9FFFFFFF  }
0xc2: {  	(tm) =	ssettm $0x7FFFFFFF  }
0xc3: {  	_ =	shalt  }
tec
execute0_lowered:
.L_overlay_start_1:
0x0: {  	(tag) =	ssettag $0x1  }
0x1: {  	s0 =	rddreg [dreg:$0x0]  }
0x2: {  	s2 =	rddreg [dreg:$0x1]  }
0x3: {  	s1 =	stileid.u32;
	s4 =	srdreg.scid  }
0x4: {  	s3 =	simm.s32 $0x0;
	s11 =	simm.s32 $0x1;
	s12 =	simm.s32 $0x500  }
0x5: {  	s13 =	simm.s32 $0xA00;
	s14 =	simm.s32 $0xF00;
	s15 =	simm.s32 $0x1900  }
0x6: {  	s18 =	simm.s32 $0x1F00;
	s19 =	simm.s32 $0x1E00;
	s20 =	simm.s32 $0x0  }
0x7: {  	s5 =	smul.u32 $0xA0, s1;
	s10 =	sand.u32 $0x1, s4;
	[smem:$0x7FF] =	sst s3  }
0x8: {  	s4 =	sadd.s32 $0x3A00, s0;
	s17 =	sshll.u32 s1, $0x6;
	s6 =	ssub.s32 $0x2, s10  }
.Ltmp0:
0x9: {  	_ =	strace $0x80000047;
	s16 =	sor.u32 s1, s10;
	(pc) =	sbr.rel .LBB2_1-.Ltmp0, $4  }
0xa: {  	v1 =	vlaneseq.u32;
	vm0 =	vcmask $0x3F18;
	s17 =	sshrl.u32 s17, $0x2;
	s9 =	sadd.s32 s5, s0;
	s30 =	sshrl.u32 s6, $0x1  }
0xb: {  	vm1 =	vcmask $0x3F14;
	vm2 =	vcmask $0x3F10;
	vm3 =	vcmask $0x3F0C;
	p0 =	sne.s32 s16, $0x0;
	s16 =	simm.s32 $0x1400;
	s31 =	ssub.s32 s6, s30  }
0xc: {  	vm4 =	vcmask $0x3F08;
	vm5 =	vcmask $0x3F04;
	v0 =	vor.u32 $0x80000000, v1;
	s5 =	sadd.s32 $0x2600, s9;
	s6 =	sadd.s32 $0x1200, s9;
	s7 =	sadd.s32 $0x1C00, s9  }
0xd: {  	v1 =	vmul.u32 $0x10, v1;
	s8 =	sadd.s32 $0x800, s9;
	s9 =	sadd.s32 $0x3000, s9;
	vm6 =	vcmask @!p0 $0x1F00;
	vm7 =	vmmov @!p0 $0x1f;
	s10 =	smax.u32 s31, $0x1  }
.LBB2_10:
0xe: {  	s0 =	simm.s32 @!p0 $0x0;
	s1 =	simm.s32 @!p0 $0x1F80;
	s20 =	sadd.s32 $0x1, s20  }
0xf: {  	[hbm4b:s4+s0] =	stream.linear.scatter @!p0 [tilespmem:s1], [sflag:$0x1], $0x680, $0x38;
	[tilespmem:$0x2620] =	vst v63  }
0x10: {  	p1 =	sne.s32 s20, s10  }
.Ltmp1:
0x11: {  	_ = 	snop;
	(pc) =	sbr.rel @!p1 .LBB2_11-.Ltmp1, $4  }
0x12: {  	s0 =	simm.s32 @!p0 $0x1  }
0x13: {  	_ =	swait.ge @!p0 [sflag:s0], $0x680  }
0x14: {  	[sflag:s0] =	ssyncset.done @!p0 $0x0  }
0x15: {  	[sflag:s0] =	ssyncadd.s32 @!p0 $0xFFFFF980  }
.LBB2_1:
0x16: {  	[tilespmem:s3], [sflag:$0x1] =	stream.linear.gather [hbm4b:s5+s3], $0x500, $0x38;
	[tilespmem:$0x2620] =	vst v63  }
0x17: {  	_ =	swait.ge [sflag:s11], $0x500  }
0x18: {  	[sflag:s11] =	ssyncset.done $0x0  }
0x19: {  	[sflag:s11] =	ssyncadd.s32 $0xFFFFFB00  }
0x1a: {  	[tilespmem:s12], [sflag:$0x1] =	stream.linear.gather [hbm4b:s6+s3], $0x500, $0x38;
	[tilespmem:$0x2620] =	vst v63  }
0x1b: {  	_ =	swait.ge [sflag:s11], $0x500  }
0x1c: {  	[sflag:s11] =	ssyncset.done $0x0  }
0x1d: {  	[sflag:s11] =	ssyncadd.s32 $0xFFFFFB00  }
0x1e: {  	[tilespmem:s13], [sflag:$0x1] =	stream.linear.gather [hbm4b:s7+s3], $0x500, $0x38;
	[tilespmem:$0x2620] =	vst v63  }
0x1f: {  	_ =	swait.ge [sflag:s11], $0x500  }
0x20: {  	[sflag:s11] =	ssyncset.done $0x0  }
0x21: {  	[sflag:s11] =	ssyncadd.s32 $0xFFFFFB00  }
0x22: {  	[tilespmem:s14], [sflag:$0x1] =	stream.linear.gather [hbm4b:s8+s3], $0x500, $0x38;
	[tilespmem:$0x2620] =	vst v63  }
0x23: {  	_ =	swait.ge [sflag:s11], $0x500  }
0x24: {  	[sflag:s11] =	ssyncset.done $0x0  }
0x25: {  	[sflag:s11] =	ssyncadd.s32 $0xFFFFFB00  }
0x26: {  	[tilespmem:s15], [sflag:$0x1] =	stream.linear.gather [hbm4b:s9+s3], $0x500, $0x38;
	[tilespmem:$0x2620] =	vst v63  }
0x27: {  	_ =	swait.ge [sflag:s11], $0x500  }
0x28: {  	[sflag:s11] =	ssyncset.done $0x0  }
0x29: {  	s0 =	simm.s32 $0xA40;
	[sflag:s11] =	ssyncadd.s32 $0xFFFFFB00  }
0x2a: {  	s21 =	simm.s32 $0x40;
	v5 =	vld [tilespmem:s0+$0x30]  }
0x2b: {  	s22 =	simm.s32 $0xF40;
	v6 =	vld [tilespmem:s21+$0x30]  }
0x2c: {  	s23 =	simm.s32 $0x540;
	v7 =	vld [tilespmem:s22+$0x30]  }
0x2d: {  	v8 =	vld [tilespmem:s23+$0x30]  }
0x2e: {  	v3 =	vld [tilespmem:s0+$0x20]  }
0x2f: {  	v9 =	vld [tilespmem:s21+$0x20]  }
0x30: {  	v10 =	vld [tilespmem:s22+$0x20]  }
0x31: {  	v11 =	vld [tilespmem:s23+$0x20]  }
0x32: {  	v12 =	vld [tilespmem:s0+$0x10]  }
0x33: {  	v13 =	vld [tilespmem:s21+$0x10]  }
0x34: {  	v4 =	vld [tilespmem:s0+$0x0]  }
0x35: {  	v14 =	vld [tilespmem:s21+$0x0]  }
0x36: {  	v2 =	vld [tilespmem:s0+$0xFFFFFFF0]  }
0x37: {  	v15 =	vld [tilespmem:s21+$0xFFFFFFF0]  }
0x38: {  	v16 =	vld [tilespmem:s0+$0xFFFFFFE0]  }
0x39: {  	v17 =	vld [tilespmem:s21+$0xFFFFFFE0]  }
0x3a: {  	v18 =	vld [tilespmem:s0+$0xFFFFFFD0]  }
0x3b: {  	v19 =	vld [tilespmem:s21+$0xFFFFFFD0]  }
0x3c: {  	v20 =	vld [tilespmem:s0+$0xFFFFFFC0]  }
0x3d: {  	v21 =	vld [tilespmem:s21+$0xFFFFFFC0]  }
0x3e: {  	v22 =	vld [tilespmem:s22+$0xFFFFFFC0]  }
0x3f: {  	v23 =	vld [tilespmem:s23+$0xFFFFFFC0]  }
0x40: {  	v24 =	vld [tilespmem:s22+$0xFFFFFFD0]  }
0x41: {  	v25 =	vld [tilespmem:s23+$0xFFFFFFD0]  }
0x42: {  	v26 =	vld [tilespmem:s22+$0xFFFFFFE0]  }
0x43: {  	v27 =	vld [tilespmem:s23+$0xFFFFFFE0]  }
0x44: {  	v20 =	vsub.f32 v20, v21;
	v21 =	vsub.f32 v22, v23;
	v22 =	vld [tilespmem:s22+$0xFFFFFFF0]  }
0x45: {  	v18 =	vsub.f32 v18, v19;
	v19 =	vld [tilespmem:s23+$0xFFFFFFF0]  }
0x46: {  	v23 =	vsub.f32 v24, v25;
	v24 =	vld [tilespmem:s22+$0x0]  }
0x47: {  	v16 =	vsub.f32 v16, v17;
	v17 =	vld [tilespmem:s23+$0x0];
	v15 =	vsub.f32 v2, v15  }
0x48: {  	s25 =	simm.s32 $0xAC0;
	v25 =	vld [tilespmem:s22+$0x10];
	v14 =	vsub.f32 v4, v14;
	v9 =	vsub.f32 v3, v9  }
0x49: {  	s28 =	simm.s32 $0xC0;
	v2 =	vld [tilespmem:s25+$0x30];
	v10 =	vsub.f32 v10, v11;
	v7 =	vsub.f32 v7, v8  }
0x4a: {  	s24 =	simm.s32 $0xFC0;
	v4 =	vld [tilespmem:s28+$0x30];
	v20 =	vmax.f32 v20, $0.0e+00;
	v21 =	vmax.f32 v21, $0.0e+00;
	v18 =	vmax.f32 v18, $0.0e+00  }
0x4b: {  	v3 =	vld [tilespmem:s24+$0x30];
	v8 =	vmax.f32 v9, $0.0e+00;
	v9 =	vmax.f32 v10, $0.0e+00;
	v20 =	vmul.f32 v21, v20  }
0x4c: {  	s21 =	simm.s32 $0x1440;
	v21 =	vmax.f32 v23, $0.0e+00;
	v23 =	vsub.f32 v26, v27;
	v9 =	vmul.f32 v9, v8;
	v8 =	vld [tilespmem:s28+$0x20]  }
0x4d: {  	v16 =	vmax.f32 v16, $0.0e+00;
	v18 =	vmul.f32 v21, v18;
	[tilespmem:s21+$0xFFFFFFC0] =	vst v20;
	v20 =	vld [tilespmem:s23+$0x10]  }
0x4e: {  	s22 =	simm.s32 $0x1940;
	v23 =	vmax.f32 v23, $0.0e+00;
	v19 =	vsub.f32 v22, v19;
	v17 =	vsub.f32 v24, v17;
	v24 =	vld [tilespmem:s24+$0xFFFFFFC0]  }
0x4f: {  	[tilespmem:s21+$0x20] =	vst v9;
	v21 =	vld [tilespmem:s22+$0xFFFFFFC0];
	v16 =	vmul.f32 v23, v16  }
0x50: {  	v15 =	vmax.f32 v15, $0.0e+00;
	[tilespmem:s21+$0xFFFFFFD0] =	vst v18;
	v23 =	vld [tilespmem:s22+$0x20];
	v19 =	vmax.f32 v19, $0.0e+00  }
0x51: {  	v18 =	vld [tilespmem:s22+$0xFFFFFFD0];
	[tilespmem:s21+$0xFFFFFFE0] =	vst v16;
	v15 =	vmul.f32 v19, v15  }
0x52: {  	s26 =	simm.s32 $0x5C0;
	v12 =	vsub.f32 v12, v13;
	v13 =	vmax.f32 v14, $0.0e+00;
	v14 =	vmax.f32 v17, $0.0e+00;
	v16 =	vld [tilespmem:s22+$0xFFFFFFE0]  }
0x53: {  	v13 =	vmul.f32 v14, v13;
	v17 =	vsub.f32 v25, v20;
	[tilespmem:s21+$0xFFFFFFF0] =	vst v15;
	v15 =	vsub.f32 v5, v6;
	v5 =	vld [tilespmem:s26+$0x30]  }
0x54: {  	v6 =	vld [tilespmem:s25+$0x20]  }
0x55: {  	v11 =	vmax.f32 v12, $0.0e+00;
	[tilespmem:s21+$0x0] =	vst v13;
	v13 =	vld [tilespmem:s25+$0x0];
	v14 =	vmax.f32 v17, $0.0e+00  }
0x56: {  	v7 =	vmax.f32 v7, $0.0e+00;
	v12 =	vld [tilespmem:s22+$0xFFFFFFF0];
	v10 =	vmax.f32 v15, $0.0e+00;
	v11 =	vmul.f32 v14, v11  }
0x57: {  	v14 =	vld [tilespmem:s22+$0x0];
	v9 =	vmul.f32 v7, v10;
	v10 =	vimm.f32 $-3.000000000e+00  }
0x58: {  	v7 =	vld [tilespmem:s24+$0x20];
	vm8 =	vgt.f32 v21, v10;
	[tilespmem:s21+$0x10] =	vst v11  }
0x59: {  	[tilespmem:s21+$0x30] =	vst v9;
	v11 =	vsel vm8, v21, v10;
	v9 =	vld [tilespmem:s26+$0x20]  }
0x5a: {  	v10 =	vld [tilespmem:s25+$0x10];
	vm9 =	vgt.f32 v18, v11  }
0x5b: {  	v21 =	vld [tilespmem:s28+$0xFFFFFFD0];
	v15 =	vsel vm9, v18, v11  }
0x5c: {  	v22 =	vld [tilespmem:s22+$0x10];
	vm10 =	vgt.f32 v16, v15  }
0x5d: {  	v25 =	vld [tilespmem:s22+$0x30];
	v17 =	vsel vm10, v16, v15  }
0x5e: {  	v11 =	vld [tilespmem:s28+$0x10];
	v18 =	vimm.s32 $0x0;
	vm11 =	vgt.f32 v12, v17  }
0x5f: {  	v19 =	vsel vm8, s3, v18;
	v18 =	vld [tilespmem:s25+$0xFFFFFFE0];
	v12 =	vsel vm11, v12, v17  }
0x60: {  	s23 =	simm.s32 $0x1;
	v15 =	vld [tilespmem:s28+$0x0];
	vm8 =	vgt.f32 v14, v12  }
0x61: {  	s30 =	simm.s32 $0x2;
	v16 =	vld [tilespmem:s25+$0xFFFFFFF0];
	v20 =	vsel vm9, s23, v19;
	v12 =	vsel vm8, v14, v12  }
0x62: {  	s31 =	simm.s32 $0x3;
	v19 =	vld [tilespmem:s28+$0xFFFFFFE0];
	v14 =	vsel vm10, s30, v20;
	vm15 =	vgt.f32 v22, v12  }
0x63: {  	s1 =	simm.s32 $0x4;
	v17 =	vld [tilespmem:s28+$0xFFFFFFF0];
	v14 =	vsel vm11, s31, v14;
	v12 =	vsel vm15, v22, v12  }
0x64: {  	s23 =	simm.s32 $0x5;
	v20 =	vld [tilespmem:s25+$0xFFFFFFD0];
	v14 =	vsel vm8, s1, v14;
	vm8 =	vgt.f32 v23, v12  }
0x65: {  	s30 =	simm.s32 $0x6;
	v22 =	vld [tilespmem:s25+$0xFFFFFFC0];
	v14 =	vsel vm15, s23, v14;
	v12 =	vsel vm8, v23, v12  }
0x66: {  	s31 =	simm.s32 $0x7;
	v23 =	vld [tilespmem:s28+$0xFFFFFFC0];
	v26 =	vsel vm8, s30, v14;
	vm8 =	vgt.f32 v25, v12  }
0x67: {  	s29 =	simm.s32 $0x10;
	s23 =	simm.s32 $0x8;
	v14 =	vsel vm8, v25, v12;
	v12 =	vsel vm8, s31, v26;
	v25 =	vld [tilespmem:s26+$0xFFFFFFC0]  }
.LBB2_2:
0x68: {  	p1 =	slt.u32 s29, $0x48;
	v26 =	vld [tilespmem:s24+$0xFFFFFFD0]  }
0x69: {  	v27 =	vld [tilespmem:s26+$0xFFFFFFD0]  }
0x6a: {  	v28 =	vld [tilespmem:s24+$0xFFFFFFE0]  }
0x6b: {  	v29 =	vld [tilespmem:s26+$0xFFFFFFE0]  }
0x6c: {  	v22 =	vsub.f32 v22, v23;
	v23 =	vsub.f32 v24, v25;
	v24 =	vld [tilespmem:s24+$0xFFFFFFF0]  }
0x6d: {  	v20 =	vsub.f32 v20, v21;
	v21 =	vld [tilespmem:s26+$0xFFFFFFF0]  }
0x6e: {  	v22 =	vmax.f32 v22, $0.0e+00;
	v23 =	vmax.f32 v23, $0.0e+00;
	v25 =	vsub.f32 v26, v27;
	v26 =	vld [tilespmem:s24+$0x0]  }
0x6f: {  	v18 =	vsub.f32 v18, v19;
	v22 =	vmul.f32 v23, v22;
	v19 =	vld [tilespmem:s26+$0x0];
	v23 =	vsub.f32 v2, v4  }
0x70: {  	s21 =	sadd.s32 $0x80, s21;
	v2 =	vmax.f32 v20, $0.0e+00;
	v4 =	vmax.f32 v25, $0.0e+00;
	v20 =	vsub.f32 v28, v29;
	v25 =	vld [tilespmem:s24+$0x10]  }
0x71: {  	v16 =	vsub.f32 v16, v17;
	s22 =	sadd.s32 $0x80, s22;
	[tilespmem:s21+$0xFFFFFFC0] =	vst v22;
	v4 =	vmul.f32 v4, v2;
	v17 =	vld [tilespmem:s26+$0x10];
	v22 =	vsub.f32 v3, v5  }
0x72: {  	s25 =	sadd.s32 $0x80, s25;
	v3 =	vmax.f32 v18, $0.0e+00;
	v5 =	vld [tilespmem:s22+$0xFFFFFFC0];
	v18 =	vmax.f32 v20, $0.0e+00;
	v20 =	vsub.f32 v24, v21  }
0x73: {  	v13 =	vsub.f32 v13, v15;
	v6 =	vsub.f32 v6, v8;
	v2 =	vld [tilespmem:s25+$0x30];
	[tilespmem:s21+$0xFFFFFFD0] =	vst v4;
	v3 =	vmul.f32 v18, v3  }
0x74: {  	s28 =	sadd.s32 $0x80, s28;
	v15 =	vmax.f32 v16, $0.0e+00;
	v8 =	vld [tilespmem:s22+$0xFFFFFFD0];
	v16 =	vmax.f32 v20, $0.0e+00;
	v18 =	vsub.f32 v26, v19  }
0x75: {  	v10 =	vsub.f32 v10, v11;
	v7 =	vsub.f32 v7, v9;
	v4 =	vld [tilespmem:s28+$0x30];
	[tilespmem:s21+$0xFFFFFFE0] =	vst v3;
	v15 =	vmul.f32 v16, v15  }
0x76: {  	v11 =	vmax.f32 v13, $0.0e+00;
	s24 =	sadd.s32 $0x80, s24;
	v9 =	vld [tilespmem:s22+$0xFFFFFFE0];
	v13 =	vmax.f32 v18, $0.0e+00;
	v16 =	vsub.f32 v25, v17  }
0x77: {  	v10 =	vmax.f32 v10, $0.0e+00;
	v3 =	vld [tilespmem:s24+$0x30];
	vm8 =	vgt.f32 v5, v14;
	[tilespmem:s21+$0xFFFFFFF0] =	vst v15;
	v11 =	vmul.f32 v13, v11  }
0x78: {  	s26 =	sadd.s32 $0x80, s26;
	v13 =	vsel vm8, v5, v14;
	v12 =	vsel vm8, s23, v12;
	v14 =	vld [tilespmem:s22+$0xFFFFFFF0];
	v15 =	vmax.f32 v16, $0.0e+00  }
0x79: {  	s0 =	sadd.s32 $0x1, s23;
	v5 =	vld [tilespmem:s26+$0x30];
	vm8 =	vgt.f32 v8, v13;
	[tilespmem:s21+$0x0] =	vst v11;
	v10 =	vmul.f32 v15, v10;
	v11 =	vmax.f32 v6, $0.0e+00  }
0x7a: {  	v7 =	vmax.f32 v7, $0.0e+00;
	v8 =	vsel vm8, v8, v13;
	v12 =	vsel vm8, s0, v12;
	v13 =	vld [tilespmem:s22+$0x0]  }
0x7b: {  	s0 =	sadd.s32 $0x2, s23;
	v7 =	vmul.f32 v7, v11;
	v6 =	vld [tilespmem:s25+$0x20];
	vm8 =	vgt.f32 v9, v8;
	[tilespmem:s21+$0x10] =	vst v10;
	v10 =	vmax.f32 v23, $0.0e+00  }
0x7c: {  	v15 =	vmax.f32 v22, $0.0e+00;
	v9 =	vsel vm8, v9, v8;
	v11 =	vsel vm8, s0, v12;
	v12 =	vld [tilespmem:s22+$0x10]  }
0x7d: {  	s0 =	sadd.s32 $0x3, s23;
	v10 =	vmul.f32 v15, v10;
	v8 =	vld [tilespmem:s28+$0x20];
	vm8 =	vgt.f32 v14, v9;
	[tilespmem:s21+$0x20] =	vst v7  }
0x7e: {  	v9 =	vsel vm8, v14, v9;
	v11 =	vsel vm8, s0, v11;
	v14 =	vld [tilespmem:s22+$0x20]  }
0x7f: {  	s0 =	sadd.s32 $0x4, s23;
	v7 =	vld [tilespmem:s24+$0x20];
	vm8 =	vgt.f32 v13, v9;
	[tilespmem:s21+$0x30] =	vst v10  }
0x80: {  	v13 =	vsel vm8, v13, v9;
	v11 =	vsel vm8, s0, v11;
	v17 =	vld [tilespmem:s22+$0x30]  }
0x81: {  	s0 =	sadd.s32 $0x5, s23;
	v9 =	vld [tilespmem:s26+$0x20];
	vm8 =	vgt.f32 v12, v13  }
0x82: {  	v10 =	vld [tilespmem:s25+$0x10];
	v12 =	vsel vm8, v12, v13;
	v15 =	vsel vm8, s0, v11  }
0x83: {  	s0 =	sadd.s32 $0x6, s23;
	v11 =	vld [tilespmem:s28+$0x10];
	vm8 =	vgt.f32 v14, v12  }
0x84: {  	v13 =	vld [tilespmem:s25+$0x0];
	v12 =	vsel vm8, v14, v12;
	v18 =	vsel vm8, s0, v15  }
0x85: {  	s0 =	sadd.s32 $0x7, s23;
	s23 =	smov.u32 s29;
	v15 =	vld [tilespmem:s28+$0x0];
	vm8 =	vgt.f32 v17, v12  }
0x86: {  	v16 =	vld [tilespmem:s25+$0xFFFFFFF0];
	v14 =	vsel vm8, v17, v12;
	v12 =	vsel vm8, s0, v18  }
0x87: {  	v17 =	vld [tilespmem:s28+$0xFFFFFFF0]  }
0x88: {  	v18 =	vld [tilespmem:s25+$0xFFFFFFE0]  }
0x89: {  	v19 =	vld [tilespmem:s28+$0xFFFFFFE0]  }
0x8a: {  	v20 =	vld [tilespmem:s25+$0xFFFFFFD0]  }
.Ltmp2:
0x8b: {  	v21 =	vld [tilespmem:s28+$0xFFFFFFD0];
	(pc) =	sbr.rel @p1 .LBB2_2-.Ltmp2, $4  }
0x8c: {  	v22 =	vld [tilespmem:s25+$0xFFFFFFC0]  }
0x8d: {  	v23 =	vld [tilespmem:s28+$0xFFFFFFC0]  }
0x8e: {  	v24 =	vld [tilespmem:s24+$0xFFFFFFC0]  }
0x8f: {  	s29 =	sadd.s32 $0x8, s29;
	v25 =	vld [tilespmem:s26+$0xFFFFFFC0]  }
0x90: {  	v26 =	vld [tilespmem:s24+$0xFFFFFFD0]  }
0x91: {  	v27 =	vld [tilespmem:s26+$0xFFFFFFD0]  }
0x92: {  	v28 =	vld [tilespmem:s24+$0xFFFFFFE0]  }
0x93: {  	v29 =	vld [tilespmem:s26+$0xFFFFFFE0]  }
0x94: {  	v41 =	vld [tilespmem:s24+$0xFFFFFFF0];
	v22 =	vsub.f32 v22, v23;
	v40 =	vsub.f32 v24, v25  }
0x95: {  	v20 =	vsub.f32 v20, v21;
	v42 =	vld [tilespmem:s26+$0xFFFFFFF0]  }
0x96: {  	v44 =	vld [tilespmem:s24+$0x0];
	v22 =	vmax.f32 v22, $0.0e+00;
	v43 =	vsub.f32 v26, v27;
	v23 =	vmax.f32 v40, $0.0e+00  }
0x97: {  	v18 =	vsub.f32 v18, v19;
	v45 =	vld [tilespmem:s26+$0x0];
	v22 =	vmul.f32 v23, v22  }
0x98: {  	v48 =	vld [tilespmem:s24+$0x10];
	s0 =	sadd.s32 $0x80, s21;
	v20 =	vmax.f32 v20, $0.0e+00;
	v47 =	vsub.f32 v28, v29;
	v46 =	vmax.f32 v43, $0.0e+00  }
0x99: {  	v16 =	vsub.f32 v16, v17;
	v49 =	vld [tilespmem:s26+$0x10];
	s1 =	sadd.s32 $0x80, s22;
	v20 =	vmul.f32 v46, v20;
	[tilespmem:s0+$0xFFFFFFC0] =	vst v22  }
0x9a: {  	v18 =	vmax.f32 v18, $0.0e+00;
	v21 =	vsub.f32 v41, v42;
	v50 =	vmax.f32 v47, $0.0e+00;
	v22 =	vld [tilespmem:s1+$0xFFFFFFC0]  }
0x9b: {  	v2 =	vsub.f32 v2, v4;
	v13 =	vsub.f32 v13, v15;
	v4 =	vmul.f32 v50, v18;
	[tilespmem:s0+$0xFFFFFFD0] =	vst v20  }
0x9c: {  	v16 =	vmax.f32 v16, $0.0e+00;
	v19 =	vsub.f32 v44, v45;
	v52 =	vmax.f32 v21, $0.0e+00;
	v51 =	vld [tilespmem:s1+$0xFFFFFFD0]  }
0x9d: {  	v6 =	vsub.f32 v6, v8;
	v53 =	vsub.f32 v10, v11;
	[tilespmem:s0+$0xFFFFFFE0] =	vst v4;
	v4 =	vmul.f32 v52, v16  }
0x9e: {  	v55 =	vmax.f32 v13, $0.0e+00;
	v57 =	vsub.f32 v48, v49;
	v56 =	vmax.f32 v19, $0.0e+00;
	v54 =	vld [tilespmem:s1+$0xFFFFFFE0]  }
0x9f: {  	v7 =	vsub.f32 v7, v9;
	[tilespmem:s0+$0xFFFFFFF0] =	vst v4;
	v4 =	vmul.f32 v56, v55;
	vm8 =	vgt.f32 v22, v14  }
0xa0: {  	v8 =	vmax.f32 v53, $0.0e+00;
	v60 =	vmax.f32 v57, $0.0e+00;
	v59 =	vld [tilespmem:s1+$0xFFFFFFF0];
	v58 =	vsel vm8, v22, v14  }
0xa1: {  	v3 =	vsub.f32 v3, v5;
	[tilespmem:s0+$0x0] =	vst v4;
	v4 =	vmul.f32 v60, v8;
	vm9 =	vgt.f32 v51, v58  }
0xa2: {  	v5 =	vmax.f32 v6, $0.0e+00;
	v7 =	vmax.f32 v7, $0.0e+00;
	v62 =	vld [tilespmem:s1+$0x0];
	v61 =	vsel vm9, v51, v58  }
0xa3: {  	[tilespmem:s0+$0x10] =	vst v4;
	v4 =	vmul.f32 v7, v5;
	vm10 =	vgt.f32 v54, v61  }
0xa4: {  	v2 =	vmax.f32 v2, $0.0e+00;
	v3 =	vmax.f32 v3, $0.0e+00;
	v63 =	vld [tilespmem:s1+$0x10];
	v5 =	vsel vm10, v54, v61  }
0xa5: {  	v2 =	vmul.f32 v3, v2;
	[tilespmem:s0+$0x20] =	vst v4;
	vm11 =	vgt.f32 v59, v5  }
0xa6: {  	v4 =	vld [tilespmem:s1+$0x20];
	v3 =	vsel vm11, v59, v5  }
0xa7: {  	s24 =	sadd.s32 $0x1, s23;
	[tilespmem:s0+$0x30] =	vst v2;
	v5 =	vsel vm8, s23, v12;
	vm8 =	vgt.f32 v62, v3  }
0xa8: {  	s25 =	sadd.s32 $0x2, s23;
	v2 =	vsel vm9, s24, v5;
	v5 =	vld [tilespmem:s1+$0x30];
	v3 =	vsel vm8, v62, v3  }
0xa9: {  	s26 =	sadd.s32 $0x3, s23;
	v2 =	vsel vm10, s25, v2;
	vm15 =	vgt.f32 v63, v3  }
0xaa: {  	s28 =	sadd.s32 $0x4, s23;
	v2 =	vsel vm11, s26, v2;
	v3 =	vsel vm15, v63, v3  }
0xab: {  	s29 =	sadd.s32 $0x5, s23;
	v2 =	vsel vm8, s28, v2;
	vm8 =	vgt.f32 v4, v3  }
0xac: {  	s30 =	sadd.s32 $0x6, s23;
	v2 =	vsel vm15, s29, v2;
	v3 =	vsel vm8, v4, v3  }
0xad: {  	s31 =	sadd.s32 $0x7, s23;
	v4 =	vsel vm8, s30, v2;
	vm8 =	vgt.f32 v5, v3  }
0xae: {  	s21 =	simm.s32 $0x0;
	v2 =	vsel vm8, v5, v3;
	v3 =	vsel vm8, s31, v4  }
.LBB2_4:
0xaf: {  	(xrf0) =	vmax.scan.msk.f32 $0xffff, v2;
	_ =	sdelay $0x5  }
0xb0: {  	v4, _, _ =	vpop (xrf0)  }
0xb1: {  	v4 =	vbroadcast v4, $0xF  }
0xb2: {  	v3 =	vshll.u32 v3, $0x4  }
0xb3: {  	vm8 =	veq.f32 v2, v4;
	v2 =	vxor.u32 v0, v3  }
0xb4: {  	v2 =	vnsel vm8, $0xC0000000, v2  }
0xb5: {  	(xrf0) =	vmin.scan.msk.u32 $0xffff, v2;
	_ =	sdelay $0x5  }
0xb6: {  	v2, _, _ =	vpop (xrf0)  }
0xb7: {  	(v2sf) =	vpush v2, $0xF;
	_ =	sdelay $0xe  }
0xb8: {  	s0 =	spop (v2sf)  }
0xb9: {  	s0 =	sxor.u32 $0x80000000, s0  }
0xba: {  	v2 =	vmov s0;
	_ =	sdelay $0x4  }
0xbb: {  	v3 =	vld.idx.msk [tilespmem:v2+s16+$0x0], $0xffff  }
0xbc: {  	v5 =	vld.idx.msk [tilespmem:v2+s14+$0x0], $0xffff  }
0xbd: {  	v6 =	vld.idx.msk [tilespmem:v2+s13+$0x0], $0xffff  }
0xbe: {  	v7 =	vld.idx.msk [tilespmem:v2+s12+$0x0], $0xffff  }
0xbf: {  	v2 =	vld.idx.msk [tilespmem:v2+s3+$0x0], $0xffff  }
0xc0: {  	v3 =	vsel vm0, $0x0, v3  }
0xc1: {  	v3 =	vsel vm1, v3, v5  }
0xc2: {  	v3 =	vsel vm2, v3, v6  }
0xc3: {  	s23 =	sshll.u32 s21, $0x8;
	v3 =	vsel vm3, v3, v7  }
0xc4: {  	s0 =	sand.u32 $0x100, s23;
	v2 =	vsel vm4, v3, v2  }
0xc5: {  	s0 =	sadd.s32 s0, s2;
	v2 =	vsel vm5, v2, v4  }
0xc6: {  	s22 =	sadd.s32 s17, s0;
	[tilespmem:$0x1F00] =	vst v2  }
0xc7: {  	[spmem:s22] =	stream.linear.scatter [tilespmem:s18], [sflag:$0x1], $0x10, $0x38;
	[tilespmem:$0x2620] =	vst v63  }
0xc8: {  	_ =	swait.ge [sflag:s11], $0x10  }
0xc9: {  	[sflag:s11] =	ssyncset.done $0x0  }
0xca: {  	[sflag:s11] =	ssyncadd.s32 $0xFFFFFFF0  }
0xcb: {  	[bflag:$0x0] =	sbarrier.arrive $0xFFFF  }
0xcc: {  	[tilespmem:s19], [sflag:$0x1] =	stream.linear.gather [spmem:s0], $0x100, $0x38;
	[tilespmem:$0x2620] =	vst v63  }
0xcd: {  	_ =	swait.ge [sflag:s11], $0x100  }
0xce: {  	[sflag:s11] =	ssyncset.done $0x0  }
0xcf: {  	[sflag:s11] =	ssyncadd.s32 $0xFFFFFF00  }
0xd0: {  	v2 =	vld.idx.msk [tilespmem:v1+s19+$0x0], $0xffff;
	_ =	sdelay $0x4  }
0xd1: {  	(xrf0) =	vmax.scan.msk.f32 $0xffff, v2;
	_ =	sdelay $0x5  }
0xd2: {  	v3, _, _ =	vpop (xrf0)  }
0xd3: {  	v4 =	vbroadcast v3, $0xF;
	_ =	sdelay $0x1  }
0xd4: {  	vm8 =	veq.f32 v2, v4  }
0xd5: {  	v2 =	vnsel vm8, $0xC0000000, v0  }
0xd6: {  	(xrf0) =	vmin.scan.msk.u32 $0xffff, v2;
	_ =	sdelay $0x5  }
0xd7: {  	v2, _, _ =	vpop (xrf0)  }
0xd8: {  	(v2sf) =	vpush v2, $0xF;
	_ =	sdelay $0x6  }
0xd9: {  	(v2sf) =	vpush @!p0 v3, $0xF;
	_ =	sdelay $0x3  }
0xda: {  	v2 =	vimm.s32 @!p0 $0x66604321  }
0xdb: {  	v2 =	vunpack.c.l.s4.s8 @!p0 v2;
	_ =	sdelay $0x1  }
0xdc: {  	v2 =	vunpack.c.0.s8.s32 @!p0 v2  }
0xdd: {  	s24 =	spop (v2sf)  }
0xde: {  	v2 =	vnsel @!p0 vm6, $0x6, v2;
	s0 =	sshll.u32 s24, $0x4  }
0xdf: {  	s25 =	sor.u32 $0x1, s0;
	v2 =	vor.u32 @!p0 s0, v2  }
0xe0: {  	v3 =	vmov s25  }
0xe1: {  	s26 =	sor.u32 $0x2, s0;
	s28 =	sor.u32 $0x3, s0;
	v3 =	vbroadcast v3, $0x0  }
0xe2: {  	s29 =	sor.u32 $0x4, s0;
	v4 =	vmov s26;
	v5 =	vmov s28  }
0xe3: {  	s22 =	simm.s32 @!p0 $0x1E00;
	s0 =	sor.u32 $0x5, s0;
	v4 =	vbroadcast v4, $0x0;
	v6 =	vbroadcast v5, $0x0;
	v5 =	vmov s29  }
0xe4: {  	v9 =	vbroadcast v5, $0x0;
	v5 =	vmov s0;
	s0 =	spop @!p0 (v2sf);
	v2 =	vld.idx.msk @!p0 [tilespmem:v2+s22+$0x0], $0xffff  }
0xe5: {  	p1 =	sgt.f32 @!p0 s0, $-1.000000000e+00  }
0xe6: {  	v10 =	vbroadcast v5, $0x0  }
0xe7: {  	p1 =	por !p1, p0;
	v5 =	vld.idx.msk [tilespmem:v3+s19+$0x0], $0xffff;
	v3 =	vimm.f32 @!p0 $1.000000000e+00  }
0xe8: {  	v3 =	vpsel p1, $0x0, v3  }
0xe9: {  	v7 =	vld.idx.msk [tilespmem:v4+s19+$0x0], $0xffff;
	v2 =	vmul.f32 @!p0 v2, v3  }
0xea: {  	s0 =	sshll.u32 @!p0 s21, $0x4;
	v8 =	vld.idx.msk [tilespmem:v6+s19+$0x0], $0xffff  }
0xeb: {  	s0 =	sand.u32 @!p0 $0x3FFFFFF0, s0;
	v9 =	vld.idx.msk [tilespmem:v9+s19+$0x0], $0xffff;
	v2 =	vnsel @!p0 vm7, $0x0, v2  }
0xec: {  	s24 =	simm.s32 $0x1420;
	v4 =	vld.idx.msk [tilespmem:v10+s19+$0x0], $0xffff;
	[tilespmem:s0+$0x1F80] =	vst @!p0 v2  }
0xed: {  	v6 =	vld [tilespmem:s24+$0x0]  }
0xee: {  	s30 =	simm.s32 $0x20;
	v10 =	vld [tilespmem:s24+$0xFFFFFFF0]  }
0xef: {  	s31 =	simm.s32 $0x520;
	v11 =	vld [tilespmem:s30+$0x10]  }
0xf0: {  	s23 =	simm.s32 $0xA20;
	v12 =	vld [tilespmem:s31+$0x10]  }
0xf1: {  	s25 =	simm.s32 $0xF20;
	v13 =	vld [tilespmem:s23+$0x10]  }
0xf2: {  	v14 =	vld [tilespmem:s25+$0x10]  }
0xf3: {  	v15 =	vld [tilespmem:s24+$0xFFFFFFE0]  }
0xf4: {  	v16 =	vld [tilespmem:s30+$0x0]  }
0xf5: {  	v17 =	vld [tilespmem:s31+$0x0]  }
0xf6: {  	v18 =	vld [tilespmem:s23+$0x0]  }
0xf7: {  	v19 =	vld [tilespmem:s25+$0x0]  }
0xf8: {  	v20 =	vld [tilespmem:s30+$0xFFFFFFF0]  }
0xf9: {  	v21 =	vld [tilespmem:s31+$0xFFFFFFF0]  }
0xfa: {  	v22 =	vld [tilespmem:s23+$0xFFFFFFF0]  }
0xfb: {  	v24 =	vld [tilespmem:s30+$0xFFFFFFE0]  }
0xfc: {  	v3 =	vimm.f32 $-3.000000000e+00;
	v2 =	vimm.s32 $0x0;
	v25 =	vld [tilespmem:s31+$0xFFFFFFE0];
	v10 =	vadd.f32 v10, v4  }
0xfd: {  	v26 =	vld [tilespmem:s25+$0xFFFFFFF0];
	v6 =	vadd.f32 v6, v4;
	v28 =	vmax.f32 v5, v11;
	v12 =	vmax.f32 v7, v12  }
0xfe: {  	v29 =	vld [tilespmem:s23+$0xFFFFFFE0];
	v13 =	vmin.f32 v8, v13;
	v14 =	vmin.f32 v9, v14;
	v11 =	vadd.f32 v15, v4  }
0xff: {  	p2 =	por $0x1, $0x1;
	v32 =	vld [tilespmem:s25+$0xFFFFFFE0];
	v30 =	vmax.f32 v5, v16;
	v31 =	vmax.f32 v7, v17;
	v17 =	vmin.f32 v8, v18  }
.Ltmp3:
0x100: {  	v18 =	vmin.f32 v9, v19;
	v19 =	vmax.f32 v5, v20;
	v23 =	vmax.f32 v7, v21;
	(pc) =	sbr.rel @!p2 .LBB2_5-.Ltmp3, $4  }
0x101: {  	v20 =	vmin.f32 v8, v22;
	v21 =	vmax.f32 v5, v24;
	v24 =	vmax.f32 v7, v25  }
0x102: {  	v27 =	vmin.f32 v9, v26;
	v16 =	vsub.f32 v13, v28;
	v15 =	vsub.f32 v14, v12  }
0x103: {  	v12 =	vmin.f32 v8, v29;
	v17 =	vsub.f32 v17, v30;
	v18 =	vsub.f32 v18, v31  }
0x104: {  	s22 =	simm.s32 $0x1920;
	p1 =	por $0x0, $0x0;
	s23 =	simm.s32 $0x4;
	v31 =	vmin.f32 v9, v32;
	v22 =	vsub.f32 v20, v19;
	v30 =	vsub.f32 v12, v21  }
0x105: {  	v12 =	vld [tilespmem:s24+$0x10];
	s24 =	simm.s32 $0x1460  }
0x106: {  	v19 =	vld [tilespmem:s24+$0x0]  }
0x107: {  	s26 =	simm.s32 $0x60;
	v20 =	vld [tilespmem:s24+$0xFFFFFFF0]  }
0x108: {  	s28 =	simm.s32 $0x560;
	v21 =	vld [tilespmem:s26+$0x10]  }
0x109: {  	s29 =	simm.s32 $0xA60;
	v25 =	vld [tilespmem:s28+$0x10]  }
0x10a: {  	v13 =	vsub.f32 v31, v24;
	s31 =	simm.s32 $0xF60;
	v24 =	vld [tilespmem:s29+$0x10]  }
0x10b: {  	v14 =	vsub.f32 v27, v23;
	v23 =	vld [tilespmem:s31+$0x10]  }
0x10c: {  	v26 =	vmax.f32 v30, $0.0e+00;
	v27 =	vld [tilespmem:s24+$0xFFFFFFE0];
	v13 =	vmax.f32 v13, $0.0e+00  }
0x10d: {  	v28 =	vld [tilespmem:s26+$0x0];
	v29 =	vmul.f32 v13, v26  }
0x10e: {  	v31 =	vld [tilespmem:s28+$0xFFFFFFF0];
	v14 =	vmax.f32 v14, $0.0e+00;
	v13 =	vmax.f32 v22, $0.0e+00  }
0x10f: {  	v16 =	vmax.f32 v16, $0.0e+00;
	v32 =	vld [tilespmem:s29+$0xFFFFFFF0];
	v13 =	vmul.f32 v14, v13;
	v11 =	vsub.f32 v11, v29  }
0x110: {  	v15 =	vmax.f32 v15, $0.0e+00;
	v34 =	vld [tilespmem:s29+$0xFFFFFFE0];
	v14 =	vmax.f32 v17, $0.0e+00;
	v17 =	vmax.f32 v18, $0.0e+00  }
0x111: {  	v35 =	vld [tilespmem:s31+$0xFFFFFFE0];
	v14 =	vmul.f32 v17, v14;
	v10 =	vsub.f32 v10, v13;
	v11 =	vadd.f32 $9.999999710e-10, v11  }
0x112: {  	v22 =	vld [tilespmem:s28+$0x0];
	v30 =	vadd.f32 v12, v4;
	v12 =	vmul.f32 v15, v16;
	v33 =	vmin.f32 v9, v23  }
0x113: {  	v26 =	vld [tilespmem:s29+$0x0];
	v16 =	vsub.f32 v6, v14;
	v15 =	vadd.f32 $9.999999710e-10, v10;
	(erf) = vrcp.f32 v11  }
0x114: {  	v18 =	vld [tilespmem:s31+$0x0];
	v28 =	vmax.f32 v5, v28;
	v23 =	vmax.f32 v7, v31;
	v32 =	vmin.f32 v8, v32  }
0x115: {  	v17 =	vld [tilespmem:s26+$0xFFFFFFF0];
	v11 =	vadd.f32 $9.999999710e-10, v16;
	v16 =	vsub.f32 v30, v12;
	(erf) = vrcp.f32 v15  }
0x116: {  	v6 =	vadd.f32 v19, v4;
	v19 =	vld [tilespmem:s26+$0xFFFFFFE0];
	v10 =	vadd.f32 v20, v4;
	v20 =	vmax.f32 v5, v21  }
0x117: {  	v21 =	vmax.f32 v7, v25;
	v25 =	vld [tilespmem:s31+$0xFFFFFFF0];
	v16 =	vadd.f32 $9.999999710e-10, v16;
	(erf) = vrcp.f32 v11  }
0x118: {  	v31 =	vmin.f32 v9, v35;
	v22 =	vmax.f32 v7, v22;
	v36 =	vmin.f32 v8, v26;
	v15 =	vld [tilespmem:s28+$0xFFFFFFE0]  }
0x119: {  	p2 =	por $0x1, $0x1;
	v30 =	vmin.f32 v8, v24;
	v18 =	vmin.f32 v9, v18;
	(erf) = vrcp.f32 v16  }
.Ltmp4:
0x11a: {  	v37 =	vmax.f32 v5, v17;
	v17 =	vsub.f32 v36, v28;
	v18 =	vsub.f32 v18, v22;
	(pc) =	sbr.rel @!p2 .LBB2_7-.Ltmp4, $4  }
0x11b: {  	v26 =	vld [tilespmem:s22+$0xFFFFFFE0];
	v11 =	vadd.f32 v27, v4;
	v22 =	vsub.f32 v32, v37;
	v19 =	vmax.f32 v5, v19  }
0x11c: {  	v28 =	vld [tilespmem:s22+$0xFFFFFFF0];
	v27 =	vmin.f32 v9, v25;
	v16 =	vsub.f32 v30, v20;
	v20 =	vmin.f32 v8, v34;
	v25 =	vpop (erf)  }
0x11d: {  	s0 =	simm.s32 $0x8;
	v24 =	vmax.f32 v7, v15;
	v15 =	vsub.f32 v33, v21;
	v21 =	vld [tilespmem:s22+$0x10];
	v29 =	vmul.f32 v25, v29  }
0x11e: {  	p1 =	por $0x1, $0x1;
	s25 =	simm.s32 $0x1920;
	s30 =	simm.s32 $0x0;
	v30 =	vsub.f32 v20, v19;
	v20 =	vimm.f32 $-3.000000000e+00;
	v19 =	vimm.s32 $0x0;
	v25 =	vld [tilespmem:s22+$0x0];
	v32 =	vpop (erf)  }
.LBB2_8:
0x11f: {  	p2 =	slt.u32 s0, $0x4C;
	v23 =	vsub.f32 v27, v23;
	v27 =	vld [tilespmem:s24+$0x10];
	s24 =	sadd.s32 $0x40, s24;
	vm8 =	vgt.f32 v29, $5.000000000e-01;
	v13 =	vmul.f32 v32, v13  }
0x120: {  	v24 =	vsub.f32 v31, v24;
	v29 =	vld [tilespmem:s24+$0x0];
	v30 =	vmax.f32 v30, $0.0e+00;
	v33 =	vsel vm8, $0xC0000000, v26;
	v31 =	vpop (erf)  }
0x121: {  	s26 =	sadd.s32 $0x40, s26;
	v32 =	vld [tilespmem:s24+$0xFFFFFFF0];
	[tilespmem:s25+$0xFFFFFFE0] =	vst v33;
	vm8 =	vgt.f32 v33, v20;
	vm9 =	vgt.f32 v13, $5.000000000e-01;
	v13 =	vmul.f32 v31, v14  }
0x122: {  	s28 =	sadd.s32 $0x40, s28;
	v31 =	vld [tilespmem:s26+$0x10];
	v14 =	vsel vm8, v33, v20;
	v19 =	vsel vm8, s30, v19;
	v20 =	vsel vm9, $0xC0000000, v28;
	v26 =	vpop (erf)  }
0x123: {  	s29 =	sadd.s32 $0x40, s29;
	s1 =	sadd.s32 $0x1, s30;
	v28 =	vld [tilespmem:s28+$0x10];
	[tilespmem:s25+$0xFFFFFFF0] =	vst v20;
	vm8 =	vgt.f32 v20, v14;
	vm9 =	vgt.f32 v13, $5.000000000e-01;
	v12 =	vmul.f32 v26, v12  }
0x124: {  	s31 =	sadd.s32 $0x40, s31;
	v26 =	vld [tilespmem:s29+$0x10];
	v13 =	vsel vm8, v20, v14;
	v14 =	vsel vm8, s1, v19;
	v19 =	vsel vm9, $0xC0000000, v25  }
0x125: {  	v20 =	vmax.f32 v24, $0.0e+00;
	s1 =	sadd.s32 $0x2, s30;
	v25 =	vld [tilespmem:s31+$0x10];
	[tilespmem:s25+$0x0] =	vst v19;
	vm8 =	vgt.f32 v19, v13;
	vm9 =	vgt.f32 v12, $5.000000000e-01  }
0x126: {  	v24 =	vld [tilespmem:s24+$0xFFFFFFE0];
	v12 =	vsel vm8, v19, v13;
	v13 =	vsel vm8, s1, v14;
	v14 =	vsel vm9, $0xC0000000, v21  }
0x127: {  	v22 =	vmax.f32 v22, $0.0e+00;
	v30 =	vmul.f32 v20, v30;
	s1 =	sadd.s32 $0x3, s30;
	s30 =	smov.u32 s23;
	s23 =	smov.u32 s0;
	v21 =	vld [tilespmem:s26+$0x0];
	[tilespmem:s25+$0x10] =	vst v14;
	vm8 =	vgt.f32 v14, v12  }
0x128: {  	v23 =	vmax.f32 v23, $0.0e+00;
	v33 =	vld [tilespmem:s28+$0x0];
	v20 =	vsel vm8, v14, v12;
	v19 =	vsel vm8, s1, v13  }
0x129: {  	v11 =	vsub.f32 v11, v30;
	v13 =	vmul.f32 v23, v22;
	v12 =	vmax.f32 v16, $0.0e+00;
	v34 =	vld [tilespmem:s29+$0x0]  }
0x12a: {  	v15 =	vmax.f32 v15, $0.0e+00;
	v14 =	vmax.f32 v17, $0.0e+00;
	v17 =	vmax.f32 v18, $0.0e+00;
	v16 =	vld [tilespmem:s31+$0x0]  }
0x12b: {  	v11 =	vadd.f32 $9.999999710e-10, v11;
	v14 =	vmul.f32 v17, v14;
	v10 =	vsub.f32 v10, v13;
	v18 =	vld [tilespmem:s26+$0xFFFFFFF0]  }
0x12c: {  	v12 =	vmul.f32 v15, v12;
	v15 =	vadd.f32 v27, v4;
	v17 =	vld [tilespmem:s28+$0xFFFFFFF0]  }
0x12d: {  	v27 =	vsub.f32 v6, v14;
	v23 =	vadd.f32 $9.999999710e-10, v10;
	v22 =	vld [tilespmem:s29+$0xFFFFFFF0];
	(erf) = vrcp.f32 v11  }
0x12e: {  	v6 =	vadd.f32 v29, v4;
	v10 =	vadd.f32 v32, v4;
	v35 =	vld [tilespmem:s31+$0xFFFFFFF0]  }
0x12f: {  	v15 =	vsub.f32 v15, v12;
	v11 =	vadd.f32 $9.999999710e-10, v27;
	v29 =	vld [tilespmem:s26+$0xFFFFFFE0];
	(erf) = vrcp.f32 v23  }
0x130: {  	v31 =	vmax.f32 v5, v31;
	v28 =	vmax.f32 v7, v28;
	v32 =	vmin.f32 v8, v26;
	v27 =	vld [tilespmem:s28+$0xFFFFFFE0]  }
0x131: {  	v25 =	vmin.f32 v9, v25;
	v15 =	vadd.f32 $9.999999710e-10, v15;
	v36 =	vld [tilespmem:s29+$0xFFFFFFE0];
	(erf) = vrcp.f32 v11  }
0x132: {  	v37 =	vmax.f32 v5, v21;
	v33 =	vmax.f32 v7, v33;
	v11 =	vadd.f32 v24, v4  }
0x133: {  	v34 =	vmin.f32 v8, v34;
	v39 =	vmin.f32 v9, v16;
	v38 =	vld [tilespmem:s31+$0xFFFFFFE0];
	(erf) = vrcp.f32 v15  }
.Ltmp5:
0x134: {  	s25 =	sadd.s32 $0x40, s25;
	v40 =	vmax.f32 v5, v18;
	v23 =	vmax.f32 v7, v17;
	v22 =	vmin.f32 v8, v22;
	(pc) =	sbr.rel @p2 .LBB2_8-.Ltmp5, $4  }
0x135: {  	v41 =	vmax.f32 v5, v29;
	v24 =	vmax.f32 v7, v27;
	v27 =	vmin.f32 v9, v35;
	v26 =	vld [tilespmem:s25+$0xFFFFFFE0]  }
0x136: {  	v16 =	vsub.f32 v32, v31;
	v15 =	vsub.f32 v25, v28;
	v35 =	vmin.f32 v8, v36;
	v21 =	vld [tilespmem:s25+$0x10];
	v25 =	vpop (erf)  }
0x137: {  	v18 =	vsub.f32 v39, v33;
	v17 =	vsub.f32 v34, v37;
	v29 =	vmul.f32 v25, v30;
	v28 =	vld [tilespmem:s25+$0xFFFFFFF0]  }
0x138: {  	s0 =	sadd.s32 $0x4, s0;
	v22 =	vsub.f32 v22, v40;
	v30 =	vsub.f32 v35, v41;
	v31 =	vmin.f32 v9, v38;
	v25 =	vld [tilespmem:s25+$0x0];
	v32 =	vpop (erf)  }
.LBB2_9:
0x139: {  	v5 =	vsub.f32 v31, v24;
	_ =	sdelay $0x1  }
0x13a: {  	v7 =	vsub.f32 v27, v23;
	v8 =	vmax.f32 v30, $0.0e+00;
	v5 =	vmax.f32 v5, $0.0e+00  }
0x13b: {  	v9 =	vld [tilespmem:s24+$0x10];
	v5 =	vmul.f32 v5, v8  }
0x13c: {  	v51 =	vmax.f32 v22, $0.0e+00;
	v7 =	vmax.f32 v7, $0.0e+00  }
0x13d: {  	v52 =	vmax.f32 v16, $0.0e+00;
	v7 =	vmul.f32 v7, v51;
	v11 =	vsub.f32 v11, v5  }
0x13e: {  	v53 =	vmax.f32 v17, $0.0e+00;
	v54 =	vmax.f32 v18, $0.0e+00;
	v15 =	vmax.f32 v15, $0.0e+00  }
0x13f: {  	v16 =	vmul.f32 v54, v53;
	v10 =	vsub.f32 v10, v7;
	v11 =	vadd.f32 $9.999999710e-10, v11  }
0x140: {  	v8 =	vmul.f32 v15, v52;
	v4 =	vadd.f32 v9, v4  }
0x141: {  	v6 =	vsub.f32 v6, v16;
	v55 =	vadd.f32 $9.999999710e-10, v10;
	(erf) = vrcp.f32 v11  }
0x142: {  	vm8 =	vgt.f32 @p1 v29, $5.000000000e-01;
	v9 =	vmul.f32 @p1 v32, v13;
	v4 =	vsub.f32 v4, v8  }
0x143: {  	v6 =	vadd.f32 $9.999999710e-10, v6;
	v10 =	vsel @p1 vm8, $0xC0000000, v26;
	(erf) = vrcp.f32 v55  }
0x144: {  	vm9 =	vgt.f32 @p1 v9, $5.000000000e-01;
	vm8 =	vgt.f32 @p1 v10, v20;
	v4 =	vadd.f32 $9.999999710e-10, v4;
	v11 =	vpop @p1 (erf)  }
0x145: {  	v9 =	vsel @p1 vm8, v10, v20;
	(erf) = vrcp.f32 v6;
	v6 =	vmul.f32 @p1 v11, v14;
	v13 =	vpop @p1 (erf)  }
0x146: {  	v11 =	vsel @p1 vm9, $0xC0000000, v28;
	(erf) = vrcp.f32 v4;
	v4 =	vmul.f32 @p1 v13, v12  }
0x147: {  	s0 =	sadd.s32 @p1 $0x40, s25;
	vm9 =	vgt.f32 @p1 v11, v9;
	vm10 =	vgt.f32 @p1 v6, $5.000000000e-01  }
0x148: {  	s22 =	smov.u32 @p1 s0;
	v6 =	vsel @p1 vm9, v11, v9;
	v9 =	vsel @p1 vm10, $0xC0000000, v25  }
0x149: {  	v56 =	vld [tilespmem:s22+$0xFFFFFFE0];
	v13 =	vsel @p1 vm8, s30, v19;
	vm10 =	vgt.f32 @p1 v4, $5.000000000e-01;
	vm8 =	vgt.f32 @p1 v9, v6  }
0x14a: {  	s0 =	sadd.s32 @p1 $0x1, s30;
	v14 =	vsel @p1 vm10, $0xC0000000, v21;
	v6 =	vsel @p1 vm8, v9, v6;
	v4 =	vpop (erf)  }
0x14b: {  	v13 =	vsel @p1 vm9, s0, v13;
	vm9 =	vgt.f32 @p1 v14, v6;
	v4 =	vmul.f32 v4, v5;
	v5 =	vld [tilespmem:s22+$0xFFFFFFF0]  }
0x14c: {  	s0 =	sadd.s32 @p1 $0x2, s30;
	v57 =	vpop (erf);
	v6 =	vsel @p1 vm9, v14, v6  }
0x14d: {  	v58 =	vld [tilespmem:s22+$0x0];
	vm15 =	vgt.f32 v4, $5.000000000e-01;
	v4 =	vmul.f32 v57, v7;
	v7 =	vsel @p1 vm8, s0, v13;
	s0 =	sadd.s32 @p1 $0x3, s30  }
0x14e: {  	[tilespmem:s25+$0xFFFFFFE0] =	vst @p1 v10;
	v3 =	vpsel p1, v6, v3;
	v60 =	vpop (erf);
	v59 =	vsel vm15, $0xC0000000, v56;
	v7 =	vsel @p1 vm9, s0, v7  }
0x14f: {  	v61 =	vld [tilespmem:s22+$0x10];
	[tilespmem:s25+$0xFFFFFFF0] =	vst @p1 v11;
	vm8 =	vgt.f32 v59, v3;
	vm12 =	vgt.f32 v4, $5.000000000e-01;
	v4 =	vmul.f32 v60, v16  }
0x150: {  	s21 =	sadd.s32 $0x1, s21;
	[tilespmem:s25+$0x0] =	vst @p1 v9;
	v62 =	vpop (erf);
	v2 =	vpsel p1, v7, v2;
	v3 =	vsel vm8, v59, v3;
	v5 =	vsel vm12, $0xC0000000, v5  }
0x151: {  	[tilespmem:s25+$0x10] =	vst @p1 v14;
	p1 =	sne.s32 s21, $0x64;
	vm13 =	vgt.f32 v5, v3;
	vm14 =	vgt.f32 v4, $5.000000000e-01;
	v4 =	vmul.f32 v62, v8  }
.Ltmp6:
0x152: {  	v3 =	vsel vm13, v5, v3;
	v63 =	vsel vm14, $0xC0000000, v58;
	(pc) =	sbr.rel @p1 .LBB2_4-.Ltmp6, $4  }
.Ltmp7:
0x153: {  	s29 =	sadd.s32 $0x1, s23;
	[tilespmem:s22+$0xFFFFFFE0] =	vst v59;
	v2 =	vsel vm8, s23, v2;
	vm8 =	vgt.f32 v63, v3;
	vm15 =	vgt.f32 v4, $5.000000000e-01;
	(pc) =	sbr.rel @!p1 .LBB2_10-.Ltmp7, $4  }
0x154: {  	s30 =	sadd.s32 $0x2, s23;
	[tilespmem:s22+$0xFFFFFFF0] =	vst v5;
	v2 =	vsel vm13, s29, v2;
	v3 =	vsel vm8, v63, v3;
	v4 =	vsel vm15, $0xC0000000, v61  }
0x155: {  	s31 =	sadd.s32 $0x3, s23;
	[tilespmem:s22+$0x0] =	vst v63;
	v5 =	vsel vm8, s30, v2;
	vm8 =	vgt.f32 v4, v3  }
0x156: {  	[tilespmem:s22+$0x10] =	vst v4;
	v2 =	vsel vm8, v4, v3;
	v3 =	vsel vm8, s31, v5  }
0x157: {  	_ = 	snop  }
.LBB2_5:
.Ltmp8:
0x158: {  	(pc) =	sbr.rel .LBB2_9-.Ltmp8, $2  }
0x159: {  	_ =	sdelay $0x2  }
0x15a: {  	s25 =	simm.s32 $0x1920;
	v20 =	vimm.f32 $-3.000000000e+00;
	v19 =	vimm.s32 $0x0;
	s23 =	simm.s32 $0x0  }
.LBB2_7:
.Ltmp9:
0x15b: {  	(pc) =	sbr.rel .LBB2_9-.Ltmp9, $2  }
0x15c: {  	_ =	sdelay $0x2  }
0x15d: {  	s25 =	simm.s32 $0x1920;
	v20 =	vimm.f32 $-3.000000000e+00;
	s30 =	simm.s32 $0x0;
	v19 =	vimm.s32 $0x0  }
.LBB2_11:
0x15e: {  	_ =	sfence.sel $0x180000  }
0x15f: {  	[bflag:$0x0] =	sbarrier.arrive $0xFFFF  }
0x160: {  	_ =	strace $0x90000047  }
0x161: {  	s0 =	stileid.u32;
	[bflag:$0x2] =	sbarrier.arrive $0xFFFF  }
0x162: {  	p0 =	sne.s32 s0, $0x0;
	s0 =	rddreg [dreg:$0x2]  }
0x163: {  	s0 =	sadd.s32 @!p0 $0x100000, s0  }
0x164: {  	[sflag:s0] =	ssyncadd.tile.s32 @!p0 $0x1;
	_ =	shalt  }
.Lfunc_end2:
_tile_overlayer_lowered:
.L_overlay_start_2:
0x165: {  	(tag) =	ssettag $0x2  }
0x166: {  	s0 =	rddreg [dreg:$0x0];
	s2 =	stileid.u32  }
0x167: {  	s1 =	rddreg [dreg:$0x1];
	p0 =	sne.s32 s2, $0x0  }
0x168: {  	s3 =	rddreg [dreg:$0x2];
	[bflag:$0x3] =	sbarrier.arrive $0xFFFF;
	s2 =	simm.s32 @!p0 $0x1C01  }
0x169: {  	[timem:s3], [sflag:s2] =	dma.local @!p0 [hbm:s0], s1  }
0x16a: {  	s0 =	simm.s32 @!p0 $0x1  }
0x16b: {  	_ =	swait.ge @!p0 [sflag:s0], s1  }
0x16c: {  	s1 =	ssub.s32 @!p0 $0x0, s1;
	[sflag:s0] =	ssyncset.done @!p0 $0x0  }
0x16d: {  	[sflag:s0] =	ssyncadd.s32 @!p0 s1  }
0x16e: {  	[bflag:$0x3] =	sbarrier.arrive $0xFFFF  }
0x16f: {  	_ =	shalt  }

</sc_bundles>
